<compile_context>
chip_gen: v7x
topology: tpu7x:2x2x1
jax: 0.10.2.dev20260603
libtpu: 0.0.44.dev20260713+nightly
codegen_flags: <defaults>
</compile_context>

<pallas_src>
import jax
import jax.numpy as jnp
from jax import lax
from jax.experimental import pallas as pl
from jax.experimental.pallas import tpu as pltpu
from jax.experimental.pallas import tpu_sc as plsc

_MAX_VAL = 10
_EMB = 128
_BATCH = 16384
_NROWS = 2 * _MAX_VAL + 1

_NC = 2
_NS = 16
_NW = _NC * _NS
_BPW = _BATCH // _NW
_CH = 8
_CB = _BPW // _CH
_L = 16


def _body(values_hbm, table_hbm, out_hbm, vals_v, idx_v, table_sh, rows_v,
          gsems, wsem):
    sid = lax.axis_index("s")
    wid = sid * _NC + lax.axis_index("c")
    base = wid * _BPW
    pltpu.sync_copy(values_hbm.at[pl.ds(base, _BPW)], vals_v)

    for t, (lo, n) in enumerate([(0, 8), (8, 8), (16, _NROWS - 16)]):

        @pl.when(sid == t)
        def _stage(lo=lo, n=n):
            pltpu.sync_copy(
                table_hbm.at[pl.ds(lo, n)], table_sh.at[pl.ds(lo, n)]
            )

    for j in range(_CH):
        for k in range(_CB // _L):
            idx_v[j, pl.ds(k * _L, _L)] = (
                vals_v[pl.ds(j * _CB + k * _L, _L)] + _MAX_VAL
            )
    plsc.subcore_barrier()
    gathers = [
        pltpu.async_copy(
            table_sh.at[idx_v.at[j]], rows_v.at[pl.ds(j * _CB, _CB)], gsems[j]
        )
        for j in range(_CH)
    ]
    writes = []
    for j in range(_CH):
        gathers[j].wait()
        writes.append(
            pltpu.async_copy(
                rows_v.at[pl.ds(j * _CB, _CB)],
                out_hbm.at[pl.ds(base + j * _CB, _CB)],
                wsem,
            )
        )
    for w in writes:
        w.wait()


@jax.jit
def kernel(values, emb_table):
    run = pl.kernel(
        _body,
        mesh=plsc.VectorSubcoreMesh(core_axis_name="c", subcore_axis_name="s"),
        compiler_params=pltpu.CompilerParams(needs_layout_passes=False),
        out_type=jax.ShapeDtypeStruct((_BATCH, _EMB), jnp.float32),
        scratch_types=[
            pltpu.VMEM((_BPW,), jnp.int32),
            pltpu.VMEM((_CH, _CB), jnp.int32),
            pltpu.VMEM_SHARED((_NROWS, _EMB), jnp.float32),
            pltpu.VMEM((_BPW, _EMB), jnp.float32),
            [pltpu.SemaphoreType.DMA] * _CH,
            pltpu.SemaphoreType.DMA,
        ],
    )
    return run(values, emb_table)

# --- scband reference (transcript-rebuilt; emitter-appended) ---
"""Pipeline reference for scband-chg-spin-embedding-70609262346608 (READ-ONLY COPY).

The authoritative reference and input builder live on the scoring server;
editing this copy changes nothing except your own understanding.
"""

import jax, jax.numpy as jnp
import numpy as np

MAX_VAL = 10
EMB_SIZE = 128
NUM_EMB = 2 * MAX_VAL + 1
BATCH = 16384


def setup_inputs(seed: int = 0) -> dict:
    key = jax.random.key(seed)
    k1, k2 = jax.random.split(key)
    # charge/spin values; randint in [0, 11) so that values + max_val stays in [0, 2*max_val]
    values = jax.random.randint(k1, (BATCH,), 0, 11, dtype=jnp.int32)
    # flax nn.Embed default init is normal(stddev=1/sqrt(features)) variant; use scaled normal
    emb_table = jax.random.normal(k2, (NUM_EMB, EMB_SIZE), dtype=jnp.float32) * 0.02
    return {"values": values, "emb_table": emb_table}


def reference(values, emb_table):
    # _linear_embedding: indices = values.astype(int32) + max_val; table lookup
    indices = values.astype(jnp.int32) + MAX_VAL
    return jnp.take(emb_table, indices, axis=0)

if __name__ == "__main__":
    import jax
    _d = setup_inputs()
    print(jax.jit(kernel)(*tuple(_d.values())))

</pallas_src>

<mosaic_0001>
#map = affine_map<(d0, d1) -> (0)>
#map1 = affine_map<(d0, d1) -> (0, 0)>
module attributes {stable_mosaic.version = 14 : i64} {
  func.func @_body(%arg0: i32, %arg1: i32, %arg2: memref<16384xi32, #tpu.memory_space<hbm>>, %arg3: memref<21x128xf32, #tpu.memory_space<hbm>>, %arg4: memref<16384x128xf32, #tpu.memory_space<hbm>>, %arg5: memref<512xi32, #tpu.memory_space<vmem>>, %arg6: memref<8x64xi32, #tpu.memory_space<vmem>>, %arg7: memref<21x128xf32, #tpu.memory_space<vmem_shared>>, %arg8: memref<512x128xf32, #tpu.memory_space<vmem>>, %arg9: memref<!tpu.dma_semaphore, #tpu.memory_space<semaphore_mem>>, %arg10: memref<!tpu.dma_semaphore, #tpu.memory_space<semaphore_mem>>, %arg11: memref<!tpu.dma_semaphore, #tpu.memory_space<semaphore_mem>>, %arg12: memref<!tpu.dma_semaphore, #tpu.memory_space<semaphore_mem>>, %arg13: memref<!tpu.dma_semaphore, #tpu.memory_space<semaphore_mem>>, %arg14: memref<!tpu.dma_semaphore, #tpu.memory_space<semaphore_mem>>, %arg15: memref<!tpu.dma_semaphore, #tpu.memory_space<semaphore_mem>>, %arg16: memref<!tpu.dma_semaphore, #tpu.memory_space<semaphore_mem>>, %arg17: memref<!tpu.dma_semaphore, #tpu.memory_space<semaphore_mem>>) attributes {dimension_semantics = [#tpu.dimension_semantics<core_parallel>, #tpu.dimension_semantics<subcore_parallel>], iteration_bounds = array<i64: 2, 16>, scalar_prefetch = 0 : i64, scratch_operands = 13 : i64, tpu.core_type = #tpu.core_type<sc_vector_subcore>, window_params = [{transform_indices = #map}, {transform_indices = #map1}, {transform_indices = #map1}]} {
    %mul3A = arith.constant 2 : i32
    %mul3A_0 = arith.muli %arg1, %mul3A : i32
    %add3A = arith.addi %mul3A_0, %arg0 : i32
    %mul3A_1 = arith.constant 512 : i32
    %mul3A_2 = arith.muli %add3A, %mul3A_1 : i32
    "tpu.region"() ({
      %run_scoped3A = tpu.sem_alloc : memref<!tpu.dma_semaphore, #tpu.memory_space<semaphore_mem>>
      %dma_start3A_635 = tpu.memref_slice %arg2[%mul3A_2] : memref<16384xi32, #tpu.memory_space<hbm>> -> memref<512xi32, #tpu.memory_space<hbm>>
      %dma_start3A_636 = tpu.memref_slice %arg2[%mul3A_2] : memref<16384xi32, #tpu.memory_space<hbm>> -> memref<512xi32, #tpu.memory_space<hbm>>
      tpu.enqueue_dma source(%dma_start3A_636 : memref<512xi32, #tpu.memory_space<hbm>>) target(%arg5 : memref<512xi32, #tpu.memory_space<vmem>>) target_semaphore(%run_scoped3A : memref<!tpu.dma_semaphore, #tpu.memory_space<semaphore_mem>>)
      %dma_wait3A_637 = tpu.memref_slice %arg2[%mul3A_2] : memref<16384xi32, #tpu.memory_space<hbm>> -> memref<512xi32, #tpu.memory_space<hbm>>
      %dma_wait3A_638 = tpu.memref_slice %arg2[%mul3A_2] : memref<16384xi32, #tpu.memory_space<hbm>> -> memref<512xi32, #tpu.memory_space<hbm>>
      tpu.wait_dma2 semaphore(%run_scoped3A : memref<!tpu.dma_semaphore, #tpu.memory_space<semaphore_mem>>) src(%dma_wait3A_638 : memref<512xi32, #tpu.memory_space<hbm>>) dst(%arg5 : memref<512xi32, #tpu.memory_space<vmem>>)
      tpu.yield
    }) : () -> ()
    %eq3A = arith.constant 0 : i32
    %eq3A_3 = arith.cmpi eq, %arg1, %eq3A : i32
    %convert_element_type3A = arith.extui %eq3A_3 : i1 to i32
    %cond3A = arith.constant 0 : i32
    %cond3A_4 = arith.cmpi ne, %convert_element_type3A, %cond3A : i32
    scf.if %cond3A_4 {
      "tpu.region"() ({
        %run_scoped3A = tpu.sem_alloc : memref<!tpu.dma_semaphore, #tpu.memory_space<semaphore_mem>>
        %dma_start3A_635 = arith.constant 0 : i32
        %dma_start3A_636 = arith.constant 0 : i32
        %dma_start3A_637 = tpu.memref_slice %arg7[%dma_start3A_635, %dma_start3A_636] : memref<21x128xf32, #tpu.memory_space<vmem_shared>> -> memref<8x128xf32, #tpu.memory_space<vmem_shared>>
        %dma_start3A_638 = arith.constant 0 : i32
        %dma_start3A_639 = arith.constant 0 : i32
        %dma_start3A_640 = tpu.memref_slice %arg3[%dma_start3A_638, %dma_start3A_639] : memref<21x128xf32, #tpu.memory_space<hbm>> -> memref<8x128xf32, #tpu.memory_space<hbm>>
        tpu.enqueue_dma source(%dma_start3A_640 : memref<8x128xf32, #tpu.memory_space<hbm>>) target(%dma_start3A_637 : memref<8x128xf32, #tpu.memory_space<vmem_shared>>) target_semaphore(%run_scoped3A : memref<!tpu.dma_semaphore, #tpu.memory_space<semaphore_mem>>)
        %dma_wait3A_641 = arith.constant 0 : i32
        %dma_wait3A_642 = arith.constant 0 : i32
        %dma_wait3A_643 = tpu.memref_slice %arg7[%dma_wait3A_641, %dma_wait3A_642] : memref<21x128xf32, #tpu.memory_space<vmem_shared>> -> memref<8x128xf32, #tpu.memory_space<vmem_shared>>
        %dma_wait3A_644 = arith.constant 0 : i32
        %dma_wait3A_645 = arith.constant 0 : i32
        %dma_wait3A_646 = tpu.memref_slice %arg3[%dma_wait3A_644, %dma_wait3A_645] : memref<21x128xf32, #tpu.memory_space<hbm>> -> memref<8x128xf32, #tpu.memory_space<hbm>>
        tpu.wait_dma2 semaphore(%run_scoped3A : memref<!tpu.dma_semaphore, #tpu.memory_space<semaphore_mem>>) src(%dma_wait3A_646 : memref<8x128xf32, #tpu.memory_space<hbm>>) dst(%dma_wait3A_643 : memref<8x128xf32, #tpu.memory_space<vmem_shared>>)
        tpu.yield
      }) : () -> ()
    } else {
    }
    %eq3A_5 = arith.constant 1 : i32
    %eq3A_6 = arith.cmpi eq, %arg1, %eq3A_5 : i32
    %convert_element_type3A_7 = arith.extui %eq3A_6 : i1 to i32
    %cond3A_8 = arith.constant 0 : i32
    %cond3A_9 = arith.cmpi ne, %convert_element_type3A_7, %cond3A_8 : i32
    scf.if %cond3A_9 {
      "tpu.region"() ({
        %run_scoped3A = tpu.sem_alloc : memref<!tpu.dma_semaphore, #tpu.memory_space<semaphore_mem>>
        %dma_start3A_635 = arith.constant 8 : i32
        %dma_start3A_636 = arith.constant 0 : i32
        %dma_start3A_637 = tpu.memref_slice %arg7[%dma_start3A_635, %dma_start3A_636] : memref<21x128xf32, #tpu.memory_space<vmem_shared>> -> memref<8x128xf32, #tpu.memory_space<vmem_shared>>
        %dma_start3A_638 = arith.constant 8 : i32
        %dma_start3A_639 = arith.constant 0 : i32
        %dma_start3A_640 = tpu.memref_slice %arg3[%dma_start3A_638, %dma_start3A_639] : memref<21x128xf32, #tpu.memory_space<hbm>> -> memref<8x128xf32, #tpu.memory_space<hbm>>
        tpu.enqueue_dma source(%dma_start3A_640 : memref<8x128xf32, #tpu.memory_space<hbm>>) target(%dma_start3A_637 : memref<8x128xf32, #tpu.memory_space<vmem_shared>>) target_semaphore(%run_scoped3A : memref<!tpu.dma_semaphore, #tpu.memory_space<semaphore_mem>>)
        %dma_wait3A_641 = arith.constant 8 : i32
        %dma_wait3A_642 = arith.constant 0 : i32
        %dma_wait3A_643 = tpu.memref_slice %arg7[%dma_wait3A_641, %dma_wait3A_642] : memref<21x128xf32, #tpu.memory_space<vmem_shared>> -> memref<8x128xf32, #tpu.memory_space<vmem_shared>>
        %dma_wait3A_644 = arith.constant 8 : i32
        %dma_wait3A_645 = arith.constant 0 : i32
        %dma_wait3A_646 = tpu.memref_slice %arg3[%dma_wait3A_644, %dma_wait3A_645] : memref<21x128xf32, #tpu.memory_space<hbm>> -> memref<8x128xf32, #tpu.memory_space<hbm>>
        tpu.wait_dma2 semaphore(%run_scoped3A : memref<!tpu.dma_semaphore, #tpu.memory_space<semaphore_mem>>) src(%dma_wait3A_646 : memref<8x128xf32, #tpu.memory_space<hbm>>) dst(%dma_wait3A_643 : memref<8x128xf32, #tpu.memory_space<vmem_shared>>)
        tpu.yield
      }) : () -> ()
    } else {
    }
    %eq3A_10 = arith.constant 2 : i32
    %eq3A_11 = arith.cmpi eq, %arg1, %eq3A_10 : i32
    %convert_element_type3A_12 = arith.extui %eq3A_11 : i1 to i32
    %cond3A_13 = arith.constant 0 : i32
    %cond3A_14 = arith.cmpi ne, %convert_element_type3A_12, %cond3A_13 : i32
    scf.if %cond3A_14 {
      "tpu.region"() ({
        %run_scoped3A = tpu.sem_alloc : memref<!tpu.dma_semaphore, #tpu.memory_space<semaphore_mem>>
        %dma_start3A_635 = arith.constant 16 : i32
        %dma_start3A_636 = arith.constant 0 : i32
        %dma_start3A_637 = tpu.memref_slice %arg7[%dma_start3A_635, %dma_start3A_636] : memref<21x128xf32, #tpu.memory_space<vmem_shared>> -> memref<5x128xf32, #tpu.memory_space<vmem_shared>>
        %dma_start3A_638 = arith.constant 16 : i32
        %dma_start3A_639 = arith.constant 0 : i32
        %dma_start3A_640 = tpu.memref_slice %arg3[%dma_start3A_638, %dma_start3A_639] : memref<21x128xf32, #tpu.memory_space<hbm>> -> memref<5x128xf32, #tpu.memory_space<hbm>>
        tpu.enqueue_dma source(%dma_start3A_640 : memref<5x128xf32, #tpu.memory_space<hbm>>) target(%dma_start3A_637 : memref<5x128xf32, #tpu.memory_space<vmem_shared>>) target_semaphore(%run_scoped3A : memref<!tpu.dma_semaphore, #tpu.memory_space<semaphore_mem>>)
        %dma_wait3A_641 = arith.constant 16 : i32
        %dma_wait3A_642 = arith.constant 0 : i32
        %dma_wait3A_643 = tpu.memref_slice %arg7[%dma_wait3A_641, %dma_wait3A_642] : memref<21x128xf32, #tpu.memory_space<vmem_shared>> -> memref<5x128xf32, #tpu.memory_space<vmem_shared>>
        %dma_wait3A_644 = arith.constant 16 : i32
        %dma_wait3A_645 = arith.constant 0 : i32
        %dma_wait3A_646 = tpu.memref_slice %arg3[%dma_wait3A_644, %dma_wait3A_645] : memref<21x128xf32, #tpu.memory_space<hbm>> -> memref<5x128xf32, #tpu.memory_space<hbm>>
        tpu.wait_dma2 semaphore(%run_scoped3A : memref<!tpu.dma_semaphore, #tpu.memory_space<semaphore_mem>>) src(%dma_wait3A_646 : memref<5x128xf32, #tpu.memory_space<hbm>>) dst(%dma_wait3A_643 : memref<5x128xf32, #tpu.memory_space<vmem_shared>>)
        tpu.yield
      }) : () -> ()
    } else {
    }
    %get3A = arith.constant 0 : index
    %get3A_15 = tpu.vector_load %arg5[%get3A] {strides = array<i32>} : memref<512xi32, #tpu.memory_space<vmem>>, vector<16xi32>,
    %add3A_16 = arith.constant 10 : i32
    %add3A_17 = vector.broadcast %add3A_16 : i32 to vector<16xi32>
    %add3A_18 = arith.addi %get3A_15, %add3A_17 : vector<16xi32>
    %swap3A = arith.constant 0 : i32
    %swap3A_19 = arith.index_cast %swap3A : i32 to index
    %swap3A_20 = arith.constant 0 : index
    %swap3A_21 = tpu.vector_load %arg6[%swap3A_19, %swap3A_20] {strides = array<i32>} : memref<8x64xi32, #tpu.memory_space<vmem>>, vector<16xi32>,
    tpu.vector_store %arg6[%swap3A_19, %swap3A_20], %add3A_18 {strides = array<i32>} : memref<8x64xi32, #tpu.memory_space<vmem>>, vector<16xi32>,
    %get3A_22 = arith.constant 16 : index
    %get3A_23 = tpu.vector_load %arg5[%get3A_22] {strides = array<i32>} : memref<512xi32, #tpu.memory_space<vmem>>, vector<16xi32>,
    %add3A_24 = arith.constant 10 : i32
    %add3A_25 = vector.broadcast %add3A_24 : i32 to vector<16xi32>
    %add3A_26 = arith.addi %get3A_23, %add3A_25 : vector<16xi32>
    %swap3A_27 = arith.constant 0 : i32
    %swap3A_28 = arith.index_cast %swap3A_27 : i32 to index
    %swap3A_29 = arith.constant 16 : index
    %swap3A_30 = tpu.vector_load %arg6[%swap3A_28, %swap3A_29] {strides = array<i32>} : memref<8x64xi32, #tpu.memory_space<vmem>>, vector<16xi32>,
    tpu.vector_store %arg6[%swap3A_28, %swap3A_29], %add3A_26 {strides = array<i32>} : memref<8x64xi32, #tpu.memory_space<vmem>>, vector<16xi32>,
    %get3A_31 = arith.constant 32 : index
    %get3A_32 = tpu.vector_load %arg5[%get3A_31] {strides = array<i32>} : memref<512xi32, #tpu.memory_space<vmem>>, vector<16xi32>,
    %add3A_33 = arith.constant 10 : i32
    %add3A_34 = vector.broadcast %add3A_33 : i32 to vector<16xi32>
    %add3A_35 = arith.addi %get3A_32, %add3A_34 : vector<16xi32>
    %swap3A_36 = arith.constant 0 : i32
    %swap3A_37 = arith.index_cast %swap3A_36 : i32 to index
    %swap3A_38 = arith.constant 32 : index
    %swap3A_39 = tpu.vector_load %arg6[%swap3A_37, %swap3A_38] {strides = array<i32>} : memref<8x64xi32, #tpu.memory_space<vmem>>, vector<16xi32>,
    tpu.vector_store %arg6[%swap3A_37, %swap3A_38], %add3A_35 {strides = array<i32>} : memref<8x64xi32, #tpu.memory_space<vmem>>, vector<16xi32>,
    %get3A_40 = arith.constant 48 : index
    %get3A_41 = tpu.vector_load %arg5[%get3A_40] {strides = array<i32>} : memref<512xi32, #tpu.memory_space<vmem>>, vector<16xi32>,
    %add3A_42 = arith.constant 10 : i32
    %add3A_43 = vector.broadcast %add3A_42 : i32 to vector<16xi32>
    %add3A_44 = arith.addi %get3A_41, %add3A_43 : vector<16xi32>
    %swap3A_45 = arith.constant 0 : i32
    %swap3A_46 = arith.index_cast %swap3A_45 : i32 to index
    %swap3A_47 = arith.constant 48 : index
    %swap3A_48 = tpu.vector_load %arg6[%swap3A_46, %swap3A_47] {strides = array<i32>} : memref<8x64xi32, #tpu.memory_space<vmem>>, vector<16xi32>,
    tpu.vector_store %arg6[%swap3A_46, %swap3A_47], %add3A_44 {strides = array<i32>} : memref<8x64xi32, #tpu.memory_space<vmem>>, vector<16xi32>,
    %get3A_49 = arith.constant 64 : index
    %get3A_50 = tpu.vector_load %arg5[%get3A_49] {strides = array<i32>} : memref<512xi32, #tpu.memory_space<vmem>>, vector<16xi32>,
    %add3A_51 = arith.constant 10 : i32
    %add3A_52 = vector.broadcast %add3A_51 : i32 to vector<16xi32>
    %add3A_53 = arith.addi %get3A_50, %add3A_52 : vector<16xi32>
    %swap3A_54 = arith.constant 1 : i32
    %swap3A_55 = arith.index_cast %swap3A_54 : i32 to index
    %swap3A_56 = arith.constant 0 : index
    %swap3A_57 = tpu.vector_load %arg6[%swap3A_55, %swap3A_56] {strides = array<i32>} : memref<8x64xi32, #tpu.memory_space<vmem>>, vector<16xi32>,
    tpu.vector_store %arg6[%swap3A_55, %swap3A_56], %add3A_53 {strides = array<i32>} : memref<8x64xi32, #tpu.memory_space<vmem>>, vector<16xi32>,
    %get3A_58 = arith.constant 80 : index
    %get3A_59 = tpu.vector_load %arg5[%get3A_58] {strides = array<i32>} : memref<512xi32, #tpu.memory_space<vmem>>, vector<16xi32>,
    %add3A_60 = arith.constant 10 : i32
    %add3A_61 = vector.broadcast %add3A_60 : i32 to vector<16xi32>
    %add3A_62 = arith.addi %get3A_59, %add3A_61 : vector<16xi32>
    %swap3A_63 = arith.constant 1 : i32
    %swap3A_64 = arith.index_cast %swap3A_63 : i32 to index
    %swap3A_65 = arith.constant 16 : index
    %swap3A_66 = tpu.vector_load %arg6[%swap3A_64, %swap3A_65] {strides = array<i32>} : memref<8x64xi32, #tpu.memory_space<vmem>>, vector<16xi32>,
    tpu.vector_store %arg6[%swap3A_64, %swap3A_65], %add3A_62 {strides = array<i32>} : memref<8x64xi32, #tpu.memory_space<vmem>>, vector<16xi32>,
    %get3A_67 = arith.constant 96 : index
    %get3A_68 = tpu.vector_load %arg5[%get3A_67] {strides = array<i32>} : memref<512xi32, #tpu.memory_space<vmem>>, vector<16xi32>,
    %add3A_69 = arith.constant 10 : i32
    %add3A_70 = vector.broadcast %add3A_69 : i32 to vector<16xi32>
    %add3A_71 = arith.addi %get3A_68, %add3A_70 : vector<16xi32>
    %swap3A_72 = arith.constant 1 : i32
    %swap3A_73 = arith.index_cast %swap3A_72 : i32 to index
    %swap3A_74 = arith.constant 32 : index
    %swap3A_75 = tpu.vector_load %arg6[%swap3A_73, %swap3A_74] {strides = array<i32>} : memref<8x64xi32, #tpu.memory_space<vmem>>, vector<16xi32>,
    tpu.vector_store %arg6[%swap3A_73, %swap3A_74], %add3A_71 {strides = array<i32>} : memref<8x64xi32, #tpu.memory_space<vmem>>, vector<16xi32>,
    %get3A_76 = arith.constant 112 : index
    %get3A_77 = tpu.vector_load %arg5[%get3A_76] {strides = array<i32>} : memref<512xi32, #tpu.memory_space<vmem>>, vector<16xi32>,
    %add3A_78 = arith.constant 10 : i32
    %add3A_79 = vector.broadcast %add3A_78 : i32 to vector<16xi32>
    %add3A_80 = arith.addi %get3A_77, %add3A_79 : vector<16xi32>
    %swap3A_81 = arith.constant 1 : i32
    %swap3A_82 = arith.index_cast %swap3A_81 : i32 to index
    %swap3A_83 = arith.constant 48 : index
    %swap3A_84 = tpu.vector_load %arg6[%swap3A_82, %swap3A_83] {strides = array<i32>} : memref<8x64xi32, #tpu.memory_space<vmem>>, vector<16xi32>,
    tpu.vector_store %arg6[%swap3A_82, %swap3A_83], %add3A_80 {strides = array<i32>} : memref<8x64xi32, #tpu.memory_space<vmem>>, vector<16xi32>,
    %get3A_85 = arith.constant 128 : index
    %get3A_86 = tpu.vector_load %arg5[%get3A_85] {strides = array<i32>} : memref<512xi32, #tpu.memory_space<vmem>>, vector<16xi32>,
    %add3A_87 = arith.constant 10 : i32
    %add3A_88 = vector.broadcast %add3A_87 : i32 to vector<16xi32>
    %add3A_89 = arith.addi %get3A_86, %add3A_88 : vector<16xi32>
    %swap3A_90 = arith.constant 2 : i32
    %swap3A_91 = arith.index_cast %swap3A_90 : i32 to index
    %swap3A_92 = arith.constant 0 : index
    %swap3A_93 = tpu.vector_load %arg6[%swap3A_91, %swap3A_92] {strides = array<i32>} : memref<8x64xi32, #tpu.memory_space<vmem>>, vector<16xi32>,
    tpu.vector_store %arg6[%swap3A_91, %swap3A_92], %add3A_89 {strides = array<i32>} : memref<8x64xi32, #tpu.memory_space<vmem>>, vector<16xi32>,
    %get3A_94 = arith.constant 144 : index
    %get3A_95 = tpu.vector_load %arg5[%get3A_94] {strides = array<i32>} : memref<512xi32, #tpu.memory_space<vmem>>, vector<16xi32>,
    %add3A_96 = arith.constant 10 : i32
    %add3A_97 = vector.broadcast %add3A_96 : i32 to vector<16xi32>
    %add3A_98 = arith.addi %get3A_95, %add3A_97 : vector<16xi32>
    %swap3A_99 = arith.constant 2 : i32
    %swap3A_100 = arith.index_cast %swap3A_99 : i32 to index
    %swap3A_101 = arith.constant 16 : index
    %swap3A_102 = tpu.vector_load %arg6[%swap3A_100, %swap3A_101] {strides = array<i32>} : memref<8x64xi32, #tpu.memory_space<vmem>>, vector<16xi32>,
    tpu.vector_store %arg6[%swap3A_100, %swap3A_101], %add3A_98 {strides = array<i32>} : memref<8x64xi32, #tpu.memory_space<vmem>>, vector<16xi32>,
    %get3A_103 = arith.constant 160 : index
    %get3A_104 = tpu.vector_load %arg5[%get3A_103] {strides = array<i32>} : memref<512xi32, #tpu.memory_space<vmem>>, vector<16xi32>,
    %add3A_105 = arith.constant 10 : i32
    %add3A_106 = vector.broadcast %add3A_105 : i32 to vector<16xi32>
    %add3A_107 = arith.addi %get3A_104, %add3A_106 : vector<16xi32>
    %swap3A_108 = arith.constant 2 : i32
    %swap3A_109 = arith.index_cast %swap3A_108 : i32 to index
    %swap3A_110 = arith.constant 32 : index
    %swap3A_111 = tpu.vector_load %arg6[%swap3A_109, %swap3A_110] {strides = array<i32>} : memref<8x64xi32, #tpu.memory_space<vmem>>, vector<16xi32>,
    tpu.vector_store %arg6[%swap3A_109, %swap3A_110], %add3A_107 {strides = array<i32>} : memref<8x64xi32, #tpu.memory_space<vmem>>, vector<16xi32>,
    %get3A_112 = arith.constant 176 : index
    %get3A_113 = tpu.vector_load %arg5[%get3A_112] {strides = array<i32>} : memref<512xi32, #tpu.memory_space<vmem>>, vector<16xi32>,
    %add3A_114 = arith.constant 10 : i32
    %add3A_115 = vector.broadcast %add3A_114 : i32 to vector<16xi32>
    %add3A_116 = arith.addi %get3A_113, %add3A_115 : vector<16xi32>
    %swap3A_117 = arith.constant 2 : i32
    %swap3A_118 = arith.index_cast %swap3A_117 : i32 to index
    %swap3A_119 = arith.constant 48 : index
    %swap3A_120 = tpu.vector_load %arg6[%swap3A_118, %swap3A_119] {strides = array<i32>} : memref<8x64xi32, #tpu.memory_space<vmem>>, vector<16xi32>,
    tpu.vector_store %arg6[%swap3A_118, %swap3A_119], %add3A_116 {strides = array<i32>} : memref<8x64xi32, #tpu.memory_space<vmem>>, vector<16xi32>,
    %get3A_121 = arith.constant 192 : index
    %get3A_122 = tpu.vector_load %arg5[%get3A_121] {strides = array<i32>} : memref<512xi32, #tpu.memory_space<vmem>>, vector<16xi32>,
    %add3A_123 = arith.constant 10 : i32
    %add3A_124 = vector.broadcast %add3A_123 : i32 to vector<16xi32>
    %add3A_125 = arith.addi %get3A_122, %add3A_124 : vector<16xi32>
    %swap3A_126 = arith.constant 3 : i32
    %swap3A_127 = arith.index_cast %swap3A_126 : i32 to index
    %swap3A_128 = arith.constant 0 : index
    %swap3A_129 = tpu.vector_load %arg6[%swap3A_127, %swap3A_128] {strides = array<i32>} : memref<8x64xi32, #tpu.memory_space<vmem>>, vector<16xi32>,
    tpu.vector_store %arg6[%swap3A_127, %swap3A_128], %add3A_125 {strides = array<i32>} : memref<8x64xi32, #tpu.memory_space<vmem>>, vector<16xi32>,
    %get3A_130 = arith.constant 208 : index
    %get3A_131 = tpu.vector_load %arg5[%get3A_130] {strides = array<i32>} : memref<512xi32, #tpu.memory_space<vmem>>, vector<16xi32>,
    %add3A_132 = arith.constant 10 : i32
    %add3A_133 = vector.broadcast %add3A_132 : i32 to vector<16xi32>
    %add3A_134 = arith.addi %get3A_131, %add3A_133 : vector<16xi32>
    %swap3A_135 = arith.constant 3 : i32
    %swap3A_136 = arith.index_cast %swap3A_135 : i32 to index
    %swap3A_137 = arith.constant 16 : index
    %swap3A_138 = tpu.vector_load %arg6[%swap3A_136, %swap3A_137] {strides = array<i32>} : memref<8x64xi32, #tpu.memory_space<vmem>>, vector<16xi32>,
    tpu.vector_store %arg6[%swap3A_136, %swap3A_137], %add3A_134 {strides = array<i32>} : memref<8x64xi32, #tpu.memory_space<vmem>>, vector<16xi32>,
    %get3A_139 = arith.constant 224 : index
    %get3A_140 = tpu.vector_load %arg5[%get3A_139] {strides = array<i32>} : memref<512xi32, #tpu.memory_space<vmem>>, vector<16xi32>,
    %add3A_141 = arith.constant 10 : i32
    %add3A_142 = vector.broadcast %add3A_141 : i32 to vector<16xi32>
    %add3A_143 = arith.addi %get3A_140, %add3A_142 : vector<16xi32>
    %swap3A_144 = arith.constant 3 : i32
    %swap3A_145 = arith.index_cast %swap3A_144 : i32 to index
    %swap3A_146 = arith.constant 32 : index
    %swap3A_147 = tpu.vector_load %arg6[%swap3A_145, %swap3A_146] {strides = array<i32>} : memref<8x64xi32, #tpu.memory_space<vmem>>, vector<16xi32>,
    tpu.vector_store %arg6[%swap3A_145, %swap3A_146], %add3A_143 {strides = array<i32>} : memref<8x64xi32, #tpu.memory_space<vmem>>, vector<16xi32>,
    %get3A_148 = arith.constant 240 : index
    %get3A_149 = tpu.vector_load %arg5[%get3A_148] {strides = array<i32>} : memref<512xi32, #tpu.memory_space<vmem>>, vector<16xi32>,
    %add3A_150 = arith.constant 10 : i32
    %add3A_151 = vector.broadcast %add3A_150 : i32 to vector<16xi32>
    %add3A_152 = arith.addi %get3A_149, %add3A_151 : vector<16xi32>
    %swap3A_153 = arith.constant 3 : i32
    %swap3A_154 = arith.index_cast %swap3A_153 : i32 to index
    %swap3A_155 = arith.constant 48 : index
    %swap3A_156 = tpu.vector_load %arg6[%swap3A_154, %swap3A_155] {strides = array<i32>} : memref<8x64xi32, #tpu.memory_space<vmem>>, vector<16xi32>,
    tpu.vector_store %arg6[%swap3A_154, %swap3A_155], %add3A_152 {strides = array<i32>} : memref<8x64xi32, #tpu.memory_space<vmem>>, vector<16xi32>,
    %get3A_157 = arith.constant 256 : index
    %get3A_158 = tpu.vector_load %arg5[%get3A_157] {strides = array<i32>} : memref<512xi32, #tpu.memory_space<vmem>>, vector<16xi32>,
    %add3A_159 = arith.constant 10 : i32
    %add3A_160 = vector.broadcast %add3A_159 : i32 to vector<16xi32>
    %add3A_161 = arith.addi %get3A_158, %add3A_160 : vector<16xi32>
    %swap3A_162 = arith.constant 4 : i32
    %swap3A_163 = arith.index_cast %swap3A_162 : i32 to index
    %swap3A_164 = arith.constant 0 : index
    %swap3A_165 = tpu.vector_load %arg6[%swap3A_163, %swap3A_164] {strides = array<i32>} : memref<8x64xi32, #tpu.memory_space<vmem>>, vector<16xi32>,
    tpu.vector_store %arg6[%swap3A_163, %swap3A_164], %add3A_161 {strides = array<i32>} : memref<8x64xi32, #tpu.memory_space<vmem>>, vector<16xi32>,
    %get3A_166 = arith.constant 272 : index
    %get3A_167 = tpu.vector_load %arg5[%get3A_166] {strides = array<i32>} : memref<512xi32, #tpu.memory_space<vmem>>, vector<16xi32>,
    %add3A_168 = arith.constant 10 : i32
    %add3A_169 = vector.broadcast %add3A_168 : i32 to vector<16xi32>
    %add3A_170 = arith.addi %get3A_167, %add3A_169 : vector<16xi32>
    %swap3A_171 = arith.constant 4 : i32
    %swap3A_172 = arith.index_cast %swap3A_171 : i32 to index
    %swap3A_173 = arith.constant 16 : index
    %swap3A_174 = tpu.vector_load %arg6[%swap3A_172, %swap3A_173] {strides = array<i32>} : memref<8x64xi32, #tpu.memory_space<vmem>>, vector<16xi32>,
    tpu.vector_store %arg6[%swap3A_172, %swap3A_173], %add3A_170 {strides = array<i32>} : memref<8x64xi32, #tpu.memory_space<vmem>>, vector<16xi32>,
    %get3A_175 = arith.constant 288 : index
    %get3A_176 = tpu.vector_load %arg5[%get3A_175] {strides = array<i32>} : memref<512xi32, #tpu.memory_space<vmem>>, vector<16xi32>,
    %add3A_177 = arith.constant 10 : i32
    %add3A_178 = vector.broadcast %add3A_177 : i32 to vector<16xi32>
    %add3A_179 = arith.addi %get3A_176, %add3A_178 : vector<16xi32>
    %swap3A_180 = arith.constant 4 : i32
    %swap3A_181 = arith.index_cast %swap3A_180 : i32 to index
    %swap3A_182 = arith.constant 32 : index
    %swap3A_183 = tpu.vector_load %arg6[%swap3A_181, %swap3A_182] {strides = array<i32>} : memref<8x64xi32, #tpu.memory_space<vmem>>, vector<16xi32>,
    tpu.vector_store %arg6[%swap3A_181, %swap3A_182], %add3A_179 {strides = array<i32>} : memref<8x64xi32, #tpu.memory_space<vmem>>, vector<16xi32>,
    %get3A_184 = arith.constant 304 : index
    %get3A_185 = tpu.vector_load %arg5[%get3A_184] {strides = array<i32>} : memref<512xi32, #tpu.memory_space<vmem>>, vector<16xi32>,
    %add3A_186 = arith.constant 10 : i32
    %add3A_187 = vector.broadcast %add3A_186 : i32 to vector<16xi32>
    %add3A_188 = arith.addi %get3A_185, %add3A_187 : vector<16xi32>
    %swap3A_189 = arith.constant 4 : i32
    %swap3A_190 = arith.index_cast %swap3A_189 : i32 to index
    %swap3A_191 = arith.constant 48 : index
    %swap3A_192 = tpu.vector_load %arg6[%swap3A_190, %swap3A_191] {strides = array<i32>} : memref<8x64xi32, #tpu.memory_space<vmem>>, vector<16xi32>,
    tpu.vector_store %arg6[%swap3A_190, %swap3A_191], %add3A_188 {strides = array<i32>} : memref<8x64xi32, #tpu.memory_space<vmem>>, vector<16xi32>,
    %get3A_193 = arith.constant 320 : index
    %get3A_194 = tpu.vector_load %arg5[%get3A_193] {strides = array<i32>} : memref<512xi32, #tpu.memory_space<vmem>>, vector<16xi32>,
    %add3A_195 = arith.constant 10 : i32
    %add3A_196 = vector.broadcast %add3A_195 : i32 to vector<16xi32>
    %add3A_197 = arith.addi %get3A_194, %add3A_196 : vector<16xi32>
    %swap3A_198 = arith.constant 5 : i32
    %swap3A_199 = arith.index_cast %swap3A_198 : i32 to index
    %swap3A_200 = arith.constant 0 : index
    %swap3A_201 = tpu.vector_load %arg6[%swap3A_199, %swap3A_200] {strides = array<i32>} : memref<8x64xi32, #tpu.memory_space<vmem>>, vector<16xi32>,
    tpu.vector_store %arg6[%swap3A_199, %swap3A_200], %add3A_197 {strides = array<i32>} : memref<8x64xi32, #tpu.memory_space<vmem>>, vector<16xi32>,
    %get3A_202 = arith.constant 336 : index
    %get3A_203 = tpu.vector_load %arg5[%get3A_202] {strides = array<i32>} : memref<512xi32, #tpu.memory_space<vmem>>, vector<16xi32>,
    %add3A_204 = arith.constant 10 : i32
    %add3A_205 = vector.broadcast %add3A_204 : i32 to vector<16xi32>
    %add3A_206 = arith.addi %get3A_203, %add3A_205 : vector<16xi32>
    %swap3A_207 = arith.constant 5 : i32
    %swap3A_208 = arith.index_cast %swap3A_207 : i32 to index
    %swap3A_209 = arith.constant 16 : index
    %swap3A_210 = tpu.vector_load %arg6[%swap3A_208, %swap3A_209] {strides = array<i32>} : memref<8x64xi32, #tpu.memory_space<vmem>>, vector<16xi32>,
    tpu.vector_store %arg6[%swap3A_208, %swap3A_209], %add3A_206 {strides = array<i32>} : memref<8x64xi32, #tpu.memory_space<vmem>>, vector<16xi32>,
    %get3A_211 = arith.constant 352 : index
    %get3A_212 = tpu.vector_load %arg5[%get3A_211] {strides = array<i32>} : memref<512xi32, #tpu.memory_space<vmem>>, vector<16xi32>,
    %add3A_213 = arith.constant 10 : i32
    %add3A_214 = vector.broadcast %add3A_213 : i32 to vector<16xi32>
    %add3A_215 = arith.addi %get3A_212, %add3A_214 : vector<16xi32>
    %swap3A_216 = arith.constant 5 : i32
    %swap3A_217 = arith.index_cast %swap3A_216 : i32 to index
    %swap3A_218 = arith.constant 32 : index
    %swap3A_219 = tpu.vector_load %arg6[%swap3A_217, %swap3A_218] {strides = array<i32>} : memref<8x64xi32, #tpu.memory_space<vmem>>, vector<16xi32>,
    tpu.vector_store %arg6[%swap3A_217, %swap3A_218], %add3A_215 {strides = array<i32>} : memref<8x64xi32, #tpu.memory_space<vmem>>, vector<16xi32>,
    %get3A_220 = arith.constant 368 : index
    %get3A_221 = tpu.vector_load %arg5[%get3A_220] {strides = array<i32>} : memref<512xi32, #tpu.memory_space<vmem>>, vector<16xi32>,
    %add3A_222 = arith.constant 10 : i32
    %add3A_223 = vector.broadcast %add3A_222 : i32 to vector<16xi32>
    %add3A_224 = arith.addi %get3A_221, %add3A_223 : vector<16xi32>
    %swap3A_225 = arith.constant 5 : i32
    %swap3A_226 = arith.index_cast %swap3A_225 : i32 to index
    %swap3A_227 = arith.constant 48 : index
    %swap3A_228 = tpu.vector_load %arg6[%swap3A_226, %swap3A_227] {strides = array<i32>} : memref<8x64xi32, #tpu.memory_space<vmem>>, vector<16xi32>,
    tpu.vector_store %arg6[%swap3A_226, %swap3A_227], %add3A_224 {strides = array<i32>} : memref<8x64xi32, #tpu.memory_space<vmem>>, vector<16xi32>,
    %get3A_229 = arith.constant 384 : index
    %get3A_230 = tpu.vector_load %arg5[%get3A_229] {strides = array<i32>} : memref<512xi32, #tpu.memory_space<vmem>>, vector<16xi32>,
    %add3A_231 = arith.constant 10 : i32
    %add3A_232 = vector.broadcast %add3A_231 : i32 to vector<16xi32>
    %add3A_233 = arith.addi %get3A_230, %add3A_232 : vector<16xi32>
    %swap3A_234 = arith.constant 6 : i32
    %swap3A_235 = arith.index_cast %swap3A_234 : i32 to index
    %swap3A_236 = arith.constant 0 : index
    %swap3A_237 = tpu.vector_load %arg6[%swap3A_235, %swap3A_236] {strides = array<i32>} : memref<8x64xi32, #tpu.memory_space<vmem>>, vector<16xi32>,
    tpu.vector_store %arg6[%swap3A_235, %swap3A_236], %add3A_233 {strides = array<i32>} : memref<8x64xi32, #tpu.memory_space<vmem>>, vector<16xi32>,
    %get3A_238 = arith.constant 400 : index
    %get3A_239 = tpu.vector_load %arg5[%get3A_238] {strides = array<i32>} : memref<512xi32, #tpu.memory_space<vmem>>, vector<16xi32>,
    %add3A_240 = arith.constant 10 : i32
    %add3A_241 = vector.broadcast %add3A_240 : i32 to vector<16xi32>
    %add3A_242 = arith.addi %get3A_239, %add3A_241 : vector<16xi32>
    %swap3A_243 = arith.constant 6 : i32
    %swap3A_244 = arith.index_cast %swap3A_243 : i32 to index
    %swap3A_245 = arith.constant 16 : index
    %swap3A_246 = tpu.vector_load %arg6[%swap3A_244, %swap3A_245] {strides = array<i32>} : memref<8x64xi32, #tpu.memory_space<vmem>>, vector<16xi32>,
    tpu.vector_store %arg6[%swap3A_244, %swap3A_245], %add3A_242 {strides = array<i32>} : memref<8x64xi32, #tpu.memory_space<vmem>>, vector<16xi32>,
    %get3A_247 = arith.constant 416 : index
    %get3A_248 = tpu.vector_load %arg5[%get3A_247] {strides = array<i32>} : memref<512xi32, #tpu.memory_space<vmem>>, vector<16xi32>,
    %add3A_249 = arith.constant 10 : i32
    %add3A_250 = vector.broadcast %add3A_249 : i32 to vector<16xi32>
    %add3A_251 = arith.addi %get3A_248, %add3A_250 : vector<16xi32>
    %swap3A_252 = arith.constant 6 : i32
    %swap3A_253 = arith.index_cast %swap3A_252 : i32 to index
    %swap3A_254 = arith.constant 32 : index
    %swap3A_255 = tpu.vector_load %arg6[%swap3A_253, %swap3A_254] {strides = array<i32>} : memref<8x64xi32, #tpu.memory_space<vmem>>, vector<16xi32>,
    tpu.vector_store %arg6[%swap3A_253, %swap3A_254], %add3A_251 {strides = array<i32>} : memref<8x64xi32, #tpu.memory_space<vmem>>, vector<16xi32>,
    %get3A_256 = arith.constant 432 : index
    %get3A_257 = tpu.vector_load %arg5[%get3A_256] {strides = array<i32>} : memref<512xi32, #tpu.memory_space<vmem>>, vector<16xi32>,
    %add3A_258 = arith.constant 10 : i32
    %add3A_259 = vector.broadcast %add3A_258 : i32 to vector<16xi32>
    %add3A_260 = arith.addi %get3A_257, %add3A_259 : vector<16xi32>
    %swap3A_261 = arith.constant 6 : i32
    %swap3A_262 = arith.index_cast %swap3A_261 : i32 to index
    %swap3A_263 = arith.constant 48 : index
    %swap3A_264 = tpu.vector_load %arg6[%swap3A_262, %swap3A_263] {strides = array<i32>} : memref<8x64xi32, #tpu.memory_space<vmem>>, vector<16xi32>,
    tpu.vector_store %arg6[%swap3A_262, %swap3A_263], %add3A_260 {strides = array<i32>} : memref<8x64xi32, #tpu.memory_space<vmem>>, vector<16xi32>,
    %get3A_265 = arith.constant 448 : index
    %get3A_266 = tpu.vector_load %arg5[%get3A_265] {strides = array<i32>} : memref<512xi32, #tpu.memory_space<vmem>>, vector<16xi32>,
    %add3A_267 = arith.constant 10 : i32
    %add3A_268 = vector.broadcast %add3A_267 : i32 to vector<16xi32>
    %add3A_269 = arith.addi %get3A_266, %add3A_268 : vector<16xi32>
    %swap3A_270 = arith.constant 7 : i32
    %swap3A_271 = arith.index_cast %swap3A_270 : i32 to index
    %swap3A_272 = arith.constant 0 : index
    %swap3A_273 = tpu.vector_load %arg6[%swap3A_271, %swap3A_272] {strides = array<i32>} : memref<8x64xi32, #tpu.memory_space<vmem>>, vector<16xi32>,
    tpu.vector_store %arg6[%swap3A_271, %swap3A_272], %add3A_269 {strides = array<i32>} : memref<8x64xi32, #tpu.memory_space<vmem>>, vector<16xi32>,
    %get3A_274 = arith.constant 464 : index
    %get3A_275 = tpu.vector_load %arg5[%get3A_274] {strides = array<i32>} : memref<512xi32, #tpu.memory_space<vmem>>, vector<16xi32>,
    %add3A_276 = arith.constant 10 : i32
    %add3A_277 = vector.broadcast %add3A_276 : i32 to vector<16xi32>
    %add3A_278 = arith.addi %get3A_275, %add3A_277 : vector<16xi32>
    %swap3A_279 = arith.constant 7 : i32
    %swap3A_280 = arith.index_cast %swap3A_279 : i32 to index
    %swap3A_281 = arith.constant 16 : index
    %swap3A_282 = tpu.vector_load %arg6[%swap3A_280, %swap3A_281] {strides = array<i32>} : memref<8x64xi32, #tpu.memory_space<vmem>>, vector<16xi32>,
    tpu.vector_store %arg6[%swap3A_280, %swap3A_281], %add3A_278 {strides = array<i32>} : memref<8x64xi32, #tpu.memory_space<vmem>>, vector<16xi32>,
    %get3A_283 = arith.constant 480 : index
    %get3A_284 = tpu.vector_load %arg5[%get3A_283] {strides = array<i32>} : memref<512xi32, #tpu.memory_space<vmem>>, vector<16xi32>,
    %add3A_285 = arith.constant 10 : i32
    %add3A_286 = vector.broadcast %add3A_285 : i32 to vector<16xi32>
    %add3A_287 = arith.addi %get3A_284, %add3A_286 : vector<16xi32>
    %swap3A_288 = arith.constant 7 : i32
    %swap3A_289 = arith.index_cast %swap3A_288 : i32 to index
    %swap3A_290 = arith.constant 32 : index
    %swap3A_291 = tpu.vector_load %arg6[%swap3A_289, %swap3A_290] {strides = array<i32>} : memref<8x64xi32, #tpu.memory_space<vmem>>, vector<16xi32>,
    tpu.vector_store %arg6[%swap3A_289, %swap3A_290], %add3A_287 {strides = array<i32>} : memref<8x64xi32, #tpu.memory_space<vmem>>, vector<16xi32>,
    %get3A_292 = arith.constant 496 : index
    %get3A_293 = tpu.vector_load %arg5[%get3A_292] {strides = array<i32>} : memref<512xi32, #tpu.memory_space<vmem>>, vector<16xi32>,
    %add3A_294 = arith.constant 10 : i32
    %add3A_295 = vector.broadcast %add3A_294 : i32 to vector<16xi32>
    %add3A_296 = arith.addi %get3A_293, %add3A_295 : vector<16xi32>
    %swap3A_297 = arith.constant 7 : i32
    %swap3A_298 = arith.index_cast %swap3A_297 : i32 to index
    %swap3A_299 = arith.constant 48 : index
    %swap3A_300 = tpu.vector_load %arg6[%swap3A_298, %swap3A_299] {strides = array<i32>} : memref<8x64xi32, #tpu.memory_space<vmem>>, vector<16xi32>,
    tpu.vector_store %arg6[%swap3A_298, %swap3A_299], %add3A_296 {strides = array<i32>} : memref<8x64xi32, #tpu.memory_space<vmem>>, vector<16xi32>,
    %barrier3A = arith.constant 0 : index
    tpu.barrier barrier_id(%barrier3A)
    %dma_start3A = arith.constant 0 : i32
    %dma_start3A_301 = arith.constant 0 : i32
    %dma_start3A_302 = arith.constant 0 : i32
    %dma_start3A_303 = tpu.memref_slice %arg8[%dma_start3A_301, %dma_start3A_302] : memref<512x128xf32, #tpu.memory_space<vmem>> -> memref<64x128xf32, #tpu.memory_space<vmem>>
    %dma_start3A_304 = arith.constant 0 : i32
    %dma_start3A_305 = tpu.memref_slice %arg6[%dma_start3A, %dma_start3A_304] : memref<8x64xi32, #tpu.memory_space<vmem>> -> memref<1x64xi32, #tpu.memory_space<vmem>>
    %dma_start3A_306 = tpu.memref_squeeze %dma_start3A_305 : memref<1x64xi32, #tpu.memory_space<vmem>> -> memref<64xi32, #tpu.memory_space<vmem>>
    %dma_start3A_307 = arith.constant 0 : i32
    %dma_start3A_308 = arith.constant 0 : i32
    %dma_start3A_309 = tpu.memref_slice %arg7[%dma_start3A_307, %dma_start3A_308] : memref<21x128xf32, #tpu.memory_space<vmem_shared>> -> memref<21x128xf32, #tpu.memory_space<vmem_shared>>
    tpu.enqueue_indirect_dma source(%dma_start3A_309 : memref<21x128xf32, #tpu.memory_space<vmem_shared>>) target(%dma_start3A_303 : memref<64x128xf32, #tpu.memory_space<vmem>>) offsets(%dma_start3A_306 : memref<64xi32, #tpu.memory_space<vmem>>) semaphore(%arg9 : memref<!tpu.dma_semaphore, #tpu.memory_space<semaphore_mem>>)
    %dma_start3A_310 = arith.constant 1 : i32
    %dma_start3A_311 = arith.constant 64 : i32
    %dma_start3A_312 = arith.constant 0 : i32
    %dma_start3A_313 = tpu.memref_slice %arg8[%dma_start3A_311, %dma_start3A_312] : memref<512x128xf32, #tpu.memory_space<vmem>> -> memref<64x128xf32, #tpu.memory_space<vmem>>
    %dma_start3A_314 = arith.constant 0 : i32
    %dma_start3A_315 = tpu.memref_slice %arg6[%dma_start3A_310, %dma_start3A_314] : memref<8x64xi32, #tpu.memory_space<vmem>> -> memref<1x64xi32, #tpu.memory_space<vmem>>
    %dma_start3A_316 = tpu.memref_squeeze %dma_start3A_315 : memref<1x64xi32, #tpu.memory_space<vmem>> -> memref<64xi32, #tpu.memory_space<vmem>>
    %dma_start3A_317 = arith.constant 0 : i32
    %dma_start3A_318 = arith.constant 0 : i32
    %dma_start3A_319 = tpu.memref_slice %arg7[%dma_start3A_317, %dma_start3A_318] : memref<21x128xf32, #tpu.memory_space<vmem_shared>> -> memref<21x128xf32, #tpu.memory_space<vmem_shared>>
    tpu.enqueue_indirect_dma source(%dma_start3A_319 : memref<21x128xf32, #tpu.memory_space<vmem_shared>>) target(%dma_start3A_313 : memref<64x128xf32, #tpu.memory_space<vmem>>) offsets(%dma_start3A_316 : memref<64xi32, #tpu.memory_space<vmem>>) semaphore(%arg10 : memref<!tpu.dma_semaphore, #tpu.memory_space<semaphore_mem>>)
    %dma_start3A_320 = arith.constant 2 : i32
    %dma_start3A_321 = arith.constant 128 : i32
    %dma_start3A_322 = arith.constant 0 : i32
    %dma_start3A_323 = tpu.memref_slice %arg8[%dma_start3A_321, %dma_start3A_322] : memref<512x128xf32, #tpu.memory_space<vmem>> -> memref<64x128xf32, #tpu.memory_space<vmem>>
    %dma_start3A_324 = arith.constant 0 : i32
    %dma_start3A_325 = tpu.memref_slice %arg6[%dma_start3A_320, %dma_start3A_324] : memref<8x64xi32, #tpu.memory_space<vmem>> -> memref<1x64xi32, #tpu.memory_space<vmem>>
    %dma_start3A_326 = tpu.memref_squeeze %dma_start3A_325 : memref<1x64xi32, #tpu.memory_space<vmem>> -> memref<64xi32, #tpu.memory_space<vmem>>
    %dma_start3A_327 = arith.constant 0 : i32
    %dma_start3A_328 = arith.constant 0 : i32
    %dma_start3A_329 = tpu.memref_slice %arg7[%dma_start3A_327, %dma_start3A_328] : memref<21x128xf32, #tpu.memory_space<vmem_shared>> -> memref<21x128xf32, #tpu.memory_space<vmem_shared>>
    tpu.enqueue_indirect_dma source(%dma_start3A_329 : memref<21x128xf32, #tpu.memory_space<vmem_shared>>) target(%dma_start3A_323 : memref<64x128xf32, #tpu.memory_space<vmem>>) offsets(%dma_start3A_326 : memref<64xi32, #tpu.memory_space<vmem>>) semaphore(%arg11 : memref<!tpu.dma_semaphore, #tpu.memory_space<semaphore_mem>>)
    %dma_start3A_330 = arith.constant 3 : i32
    %dma_start3A_331 = arith.constant 192 : i32
    %dma_start3A_332 = arith.constant 0 : i32
    %dma_start3A_333 = tpu.memref_slice %arg8[%dma_start3A_331, %dma_start3A_332] : memref<512x128xf32, #tpu.memory_space<vmem>> -> memref<64x128xf32, #tpu.memory_space<vmem>>
    %dma_start3A_334 = arith.constant 0 : i32
    %dma_start3A_335 = tpu.memref_slice %arg6[%dma_start3A_330, %dma_start3A_334] : memref<8x64xi32, #tpu.memory_space<vmem>> -> memref<1x64xi32, #tpu.memory_space<vmem>>
    %dma_start3A_336 = tpu.memref_squeeze %dma_start3A_335 : memref<1x64xi32, #tpu.memory_space<vmem>> -> memref<64xi32, #tpu.memory_space<vmem>>
    %dma_start3A_337 = arith.constant 0 : i32
    %dma_start3A_338 = arith.constant 0 : i32
    %dma_start3A_339 = tpu.memref_slice %arg7[%dma_start3A_337, %dma_start3A_338] : memref<21x128xf32, #tpu.memory_space<vmem_shared>> -> memref<21x128xf32, #tpu.memory_space<vmem_shared>>
    tpu.enqueue_indirect_dma source(%dma_start3A_339 : memref<21x128xf32, #tpu.memory_space<vmem_shared>>) target(%dma_start3A_333 : memref<64x128xf32, #tpu.memory_space<vmem>>) offsets(%dma_start3A_336 : memref<64xi32, #tpu.memory_space<vmem>>) semaphore(%arg12 : memref<!tpu.dma_semaphore, #tpu.memory_space<semaphore_mem>>)
    %dma_start3A_340 = arith.constant 4 : i32
    %dma_start3A_341 = arith.constant 256 : i32
    %dma_start3A_342 = arith.constant 0 : i32
    %dma_start3A_343 = tpu.memref_slice %arg8[%dma_start3A_341, %dma_start3A_342] : memref<512x128xf32, #tpu.memory_space<vmem>> -> memref<64x128xf32, #tpu.memory_space<vmem>>
    %dma_start3A_344 = arith.constant 0 : i32
    %dma_start3A_345 = tpu.memref_slice %arg6[%dma_start3A_340, %dma_start3A_344] : memref<8x64xi32, #tpu.memory_space<vmem>> -> memref<1x64xi32, #tpu.memory_space<vmem>>
    %dma_start3A_346 = tpu.memref_squeeze %dma_start3A_345 : memref<1x64xi32, #tpu.memory_space<vmem>> -> memref<64xi32, #tpu.memory_space<vmem>>
    %dma_start3A_347 = arith.constant 0 : i32
    %dma_start3A_348 = arith.constant 0 : i32
    %dma_start3A_349 = tpu.memref_slice %arg7[%dma_start3A_347, %dma_start3A_348] : memref<21x128xf32, #tpu.memory_space<vmem_shared>> -> memref<21x128xf32, #tpu.memory_space<vmem_shared>>
    tpu.enqueue_indirect_dma source(%dma_start3A_349 : memref<21x128xf32, #tpu.memory_space<vmem_shared>>) target(%dma_start3A_343 : memref<64x128xf32, #tpu.memory_space<vmem>>) offsets(%dma_start3A_346 : memref<64xi32, #tpu.memory_space<vmem>>) semaphore(%arg13 : memref<!tpu.dma_semaphore, #tpu.memory_space<semaphore_mem>>)
    %dma_start3A_350 = arith.constant 5 : i32
    %dma_start3A_351 = arith.constant 320 : i32
    %dma_start3A_352 = arith.constant 0 : i32
    %dma_start3A_353 = tpu.memref_slice %arg8[%dma_start3A_351, %dma_start3A_352] : memref<512x128xf32, #tpu.memory_space<vmem>> -> memref<64x128xf32, #tpu.memory_space<vmem>>
    %dma_start3A_354 = arith.constant 0 : i32
    %dma_start3A_355 = tpu.memref_slice %arg6[%dma_start3A_350, %dma_start3A_354] : memref<8x64xi32, #tpu.memory_space<vmem>> -> memref<1x64xi32, #tpu.memory_space<vmem>>
    %dma_start3A_356 = tpu.memref_squeeze %dma_start3A_355 : memref<1x64xi32, #tpu.memory_space<vmem>> -> memref<64xi32, #tpu.memory_space<vmem>>
    %dma_start3A_357 = arith.constant 0 : i32
    %dma_start3A_358 = arith.constant 0 : i32
    %dma_start3A_359 = tpu.memref_slice %arg7[%dma_start3A_357, %dma_start3A_358] : memref<21x128xf32, #tpu.memory_space<vmem_shared>> -> memref<21x128xf32, #tpu.memory_space<vmem_shared>>
    tpu.enqueue_indirect_dma source(%dma_start3A_359 : memref<21x128xf32, #tpu.memory_space<vmem_shared>>) target(%dma_start3A_353 : memref<64x128xf32, #tpu.memory_space<vmem>>) offsets(%dma_start3A_356 : memref<64xi32, #tpu.memory_space<vmem>>) semaphore(%arg14 : memref<!tpu.dma_semaphore, #tpu.memory_space<semaphore_mem>>)
    %dma_start3A_360 = arith.constant 6 : i32
    %dma_start3A_361 = arith.constant 384 : i32
    %dma_start3A_362 = arith.constant 0 : i32
    %dma_start3A_363 = tpu.memref_slice %arg8[%dma_start3A_361, %dma_start3A_362] : memref<512x128xf32, #tpu.memory_space<vmem>> -> memref<64x128xf32, #tpu.memory_space<vmem>>
    %dma_start3A_364 = arith.constant 0 : i32
    %dma_start3A_365 = tpu.memref_slice %arg6[%dma_start3A_360, %dma_start3A_364] : memref<8x64xi32, #tpu.memory_space<vmem>> -> memref<1x64xi32, #tpu.memory_space<vmem>>
    %dma_start3A_366 = tpu.memref_squeeze %dma_start3A_365 : memref<1x64xi32, #tpu.memory_space<vmem>> -> memref<64xi32, #tpu.memory_space<vmem>>
    %dma_start3A_367 = arith.constant 0 : i32
    %dma_start3A_368 = arith.constant 0 : i32
    %dma_start3A_369 = tpu.memref_slice %arg7[%dma_start3A_367, %dma_start3A_368] : memref<21x128xf32, #tpu.memory_space<vmem_shared>> -> memref<21x128xf32, #tpu.memory_space<vmem_shared>>
    tpu.enqueue_indirect_dma source(%dma_start3A_369 : memref<21x128xf32, #tpu.memory_space<vmem_shared>>) target(%dma_start3A_363 : memref<64x128xf32, #tpu.memory_space<vmem>>) offsets(%dma_start3A_366 : memref<64xi32, #tpu.memory_space<vmem>>) semaphore(%arg15 : memref<!tpu.dma_semaphore, #tpu.memory_space<semaphore_mem>>)
    %dma_start3A_370 = arith.constant 7 : i32
    %dma_start3A_371 = arith.constant 448 : i32
    %dma_start3A_372 = arith.constant 0 : i32
    %dma_start3A_373 = tpu.memref_slice %arg8[%dma_start3A_371, %dma_start3A_372] : memref<512x128xf32, #tpu.memory_space<vmem>> -> memref<64x128xf32, #tpu.memory_space<vmem>>
    %dma_start3A_374 = arith.constant 0 : i32
    %dma_start3A_375 = tpu.memref_slice %arg6[%dma_start3A_370, %dma_start3A_374] : memref<8x64xi32, #tpu.memory_space<vmem>> -> memref<1x64xi32, #tpu.memory_space<vmem>>
    %dma_start3A_376 = tpu.memref_squeeze %dma_start3A_375 : memref<1x64xi32, #tpu.memory_space<vmem>> -> memref<64xi32, #tpu.memory_space<vmem>>
    %dma_start3A_377 = arith.constant 0 : i32
    %dma_start3A_378 = arith.constant 0 : i32
    %dma_start3A_379 = tpu.memref_slice %arg7[%dma_start3A_377, %dma_start3A_378] : memref<21x128xf32, #tpu.memory_space<vmem_shared>> -> memref<21x128xf32, #tpu.memory_space<vmem_shared>>
    tpu.enqueue_indirect_dma source(%dma_start3A_379 : memref<21x128xf32, #tpu.memory_space<vmem_shared>>) target(%dma_start3A_373 : memref<64x128xf32, #tpu.memory_space<vmem>>) offsets(%dma_start3A_376 : memref<64xi32, #tpu.memory_space<vmem>>) semaphore(%arg16 : memref<!tpu.dma_semaphore, #tpu.memory_space<semaphore_mem>>)
    %dma_wait3A = arith.constant 0 : i32
    %dma_wait3A_380 = arith.constant 0 : i32
    %dma_wait3A_381 = arith.constant 0 : i32
    %dma_wait3A_382 = tpu.memref_slice %arg8[%dma_wait3A_380, %dma_wait3A_381] : memref<512x128xf32, #tpu.memory_space<vmem>> -> memref<64x128xf32, #tpu.memory_space<vmem>>
    %dma_wait3A_383 = arith.constant 0 : i32
    %dma_wait3A_384 = tpu.memref_slice %arg6[%dma_wait3A, %dma_wait3A_383] : memref<8x64xi32, #tpu.memory_space<vmem>> -> memref<1x64xi32, #tpu.memory_space<vmem>>
    %dma_wait3A_385 = tpu.memref_squeeze %dma_wait3A_384 : memref<1x64xi32, #tpu.memory_space<vmem>> -> memref<64xi32, #tpu.memory_space<vmem>>
    %dma_wait3A_386 = arith.constant 0 : i32
    %dma_wait3A_387 = arith.constant 0 : i32
    %dma_wait3A_388 = tpu.memref_slice %arg7[%dma_wait3A_386, %dma_wait3A_387] : memref<21x128xf32, #tpu.memory_space<vmem_shared>> -> memref<21x128xf32, #tpu.memory_space<vmem_shared>>
    tpu.wait_indirect_dma semaphore(%arg9 : memref<!tpu.dma_semaphore, #tpu.memory_space<semaphore_mem>>) src(%dma_wait3A_388 : memref<21x128xf32, #tpu.memory_space<vmem_shared>>) dst(%dma_wait3A_382 : memref<64x128xf32, #tpu.memory_space<vmem>>)
    %add3A_389 = arith.constant 0 : i32
    %add3A_390 = arith.addi %mul3A_2, %add3A_389 : i32
    %dma_start3A_391 = arith.constant 0 : i32
    %dma_start3A_392 = arith.constant 0 : i32
    %dma_start3A_393 = tpu.memref_slice %arg8[%dma_start3A_391, %dma_start3A_392] : memref<512x128xf32, #tpu.memory_space<vmem>> -> memref<64x128xf32, #tpu.memory_space<vmem>>
    %dma_start3A_394 = arith.constant 0 : i32
    %dma_start3A_395 = tpu.memref_slice %arg4[%add3A_390, %dma_start3A_394] : memref<16384x128xf32, #tpu.memory_space<hbm>> -> memref<64x128xf32, #tpu.memory_space<hbm>>
    %dma_start3A_396 = arith.constant 0 : i32
    %dma_start3A_397 = tpu.memref_slice %arg4[%add3A_390, %dma_start3A_396] : memref<16384x128xf32, #tpu.memory_space<hbm>> -> memref<64x128xf32, #tpu.memory_space<hbm>>
    %dma_start3A_398 = arith.constant 0 : i32
    %dma_start3A_399 = arith.constant 0 : i32
    %dma_start3A_400 = tpu.memref_slice %arg8[%dma_start3A_398, %dma_start3A_399] : memref<512x128xf32, #tpu.memory_space<vmem>> -> memref<64x128xf32, #tpu.memory_space<vmem>>
    tpu.enqueue_dma source(%dma_start3A_400 : memref<64x128xf32, #tpu.memory_space<vmem>>) target(%dma_start3A_397 : memref<64x128xf32, #tpu.memory_space<hbm>>) target_semaphore(%arg17 : memref<!tpu.dma_semaphore, #tpu.memory_space<semaphore_mem>>)
    %dma_wait3A_401 = arith.constant 1 : i32
    %dma_wait3A_402 = arith.constant 64 : i32
    %dma_wait3A_403 = arith.constant 0 : i32
    %dma_wait3A_404 = tpu.memref_slice %arg8[%dma_wait3A_402, %dma_wait3A_403] : memref<512x128xf32, #tpu.memory_space<vmem>> -> memref<64x128xf32, #tpu.memory_space<vmem>>
    %dma_wait3A_405 = arith.constant 0 : i32
    %dma_wait3A_406 = tpu.memref_slice %arg6[%dma_wait3A_401, %dma_wait3A_405] : memref<8x64xi32, #tpu.memory_space<vmem>> -> memref<1x64xi32, #tpu.memory_space<vmem>>
    %dma_wait3A_407 = tpu.memref_squeeze %dma_wait3A_406 : memref<1x64xi32, #tpu.memory_space<vmem>> -> memref<64xi32, #tpu.memory_space<vmem>>
    %dma_wait3A_408 = arith.constant 0 : i32
    %dma_wait3A_409 = arith.constant 0 : i32
    %dma_wait3A_410 = tpu.memref_slice %arg7[%dma_wait3A_408, %dma_wait3A_409] : memref<21x128xf32, #tpu.memory_space<vmem_shared>> -> memref<21x128xf32, #tpu.memory_space<vmem_shared>>
    tpu.wait_indirect_dma semaphore(%arg10 : memref<!tpu.dma_semaphore, #tpu.memory_space<semaphore_mem>>) src(%dma_wait3A_410 : memref<21x128xf32, #tpu.memory_space<vmem_shared>>) dst(%dma_wait3A_404 : memref<64x128xf32, #tpu.memory_space<vmem>>)
    %add3A_411 = arith.constant 64 : i32
    %add3A_412 = arith.addi %mul3A_2, %add3A_411 : i32
    %dma_start3A_413 = arith.constant 64 : i32
    %dma_start3A_414 = arith.constant 0 : i32
    %dma_start3A_415 = tpu.memref_slice %arg8[%dma_start3A_413, %dma_start3A_414] : memref<512x128xf32, #tpu.memory_space<vmem>> -> memref<64x128xf32, #tpu.memory_space<vmem>>
    %dma_start3A_416 = arith.constant 0 : i32
    %dma_start3A_417 = tpu.memref_slice %arg4[%add3A_412, %dma_start3A_416] : memref<16384x128xf32, #tpu.memory_space<hbm>> -> memref<64x128xf32, #tpu.memory_space<hbm>>
    %dma_start3A_418 = arith.constant 0 : i32
    %dma_start3A_419 = tpu.memref_slice %arg4[%add3A_412, %dma_start3A_418] : memref<16384x128xf32, #tpu.memory_space<hbm>> -> memref<64x128xf32, #tpu.memory_space<hbm>>
    %dma_start3A_420 = arith.constant 64 : i32
    %dma_start3A_421 = arith.constant 0 : i32
    %dma_start3A_422 = tpu.memref_slice %arg8[%dma_start3A_420, %dma_start3A_421] : memref<512x128xf32, #tpu.memory_space<vmem>> -> memref<64x128xf32, #tpu.memory_space<vmem>>
    tpu.enqueue_dma source(%dma_start3A_422 : memref<64x128xf32, #tpu.memory_space<vmem>>) target(%dma_start3A_419 : memref<64x128xf32, #tpu.memory_space<hbm>>) target_semaphore(%arg17 : memref<!tpu.dma_semaphore, #tpu.memory_space<semaphore_mem>>)
    %dma_wait3A_423 = arith.constant 2 : i32
    %dma_wait3A_424 = arith.constant 128 : i32
    %dma_wait3A_425 = arith.constant 0 : i32
    %dma_wait3A_426 = tpu.memref_slice %arg8[%dma_wait3A_424, %dma_wait3A_425] : memref<512x128xf32, #tpu.memory_space<vmem>> -> memref<64x128xf32, #tpu.memory_space<vmem>>
    %dma_wait3A_427 = arith.constant 0 : i32
    %dma_wait3A_428 = tpu.memref_slice %arg6[%dma_wait3A_423, %dma_wait3A_427] : memref<8x64xi32, #tpu.memory_space<vmem>> -> memref<1x64xi32, #tpu.memory_space<vmem>>
    %dma_wait3A_429 = tpu.memref_squeeze %dma_wait3A_428 : memref<1x64xi32, #tpu.memory_space<vmem>> -> memref<64xi32, #tpu.memory_space<vmem>>
    %dma_wait3A_430 = arith.constant 0 : i32
    %dma_wait3A_431 = arith.constant 0 : i32
    %dma_wait3A_432 = tpu.memref_slice %arg7[%dma_wait3A_430, %dma_wait3A_431] : memref<21x128xf32, #tpu.memory_space<vmem_shared>> -> memref<21x128xf32, #tpu.memory_space<vmem_shared>>
    tpu.wait_indirect_dma semaphore(%arg11 : memref<!tpu.dma_semaphore, #tpu.memory_space<semaphore_mem>>) src(%dma_wait3A_432 : memref<21x128xf32, #tpu.memory_space<vmem_shared>>) dst(%dma_wait3A_426 : memref<64x128xf32, #tpu.memory_space<vmem>>)
    %add3A_433 = arith.constant 128 : i32
    %add3A_434 = arith.addi %mul3A_2, %add3A_433 : i32
    %dma_start3A_435 = arith.constant 128 : i32
    %dma_start3A_436 = arith.constant 0 : i32
    %dma_start3A_437 = tpu.memref_slice %arg8[%dma_start3A_435, %dma_start3A_436] : memref<512x128xf32, #tpu.memory_space<vmem>> -> memref<64x128xf32, #tpu.memory_space<vmem>>
    %dma_start3A_438 = arith.constant 0 : i32
    %dma_start3A_439 = tpu.memref_slice %arg4[%add3A_434, %dma_start3A_438] : memref<16384x128xf32, #tpu.memory_space<hbm>> -> memref<64x128xf32, #tpu.memory_space<hbm>>
    %dma_start3A_440 = arith.constant 0 : i32
    %dma_start3A_441 = tpu.memref_slice %arg4[%add3A_434, %dma_start3A_440] : memref<16384x128xf32, #tpu.memory_space<hbm>> -> memref<64x128xf32, #tpu.memory_space<hbm>>
    %dma_start3A_442 = arith.constant 128 : i32
    %dma_start3A_443 = arith.constant 0 : i32
    %dma_start3A_444 = tpu.memref_slice %arg8[%dma_start3A_442, %dma_start3A_443] : memref<512x128xf32, #tpu.memory_space<vmem>> -> memref<64x128xf32, #tpu.memory_space<vmem>>
    tpu.enqueue_dma source(%dma_start3A_444 : memref<64x128xf32, #tpu.memory_space<vmem>>) target(%dma_start3A_441 : memref<64x128xf32, #tpu.memory_space<hbm>>) target_semaphore(%arg17 : memref<!tpu.dma_semaphore, #tpu.memory_space<semaphore_mem>>)
    %dma_wait3A_445 = arith.constant 3 : i32
    %dma_wait3A_446 = arith.constant 192 : i32
    %dma_wait3A_447 = arith.constant 0 : i32
    %dma_wait3A_448 = tpu.memref_slice %arg8[%dma_wait3A_446, %dma_wait3A_447] : memref<512x128xf32, #tpu.memory_space<vmem>> -> memref<64x128xf32, #tpu.memory_space<vmem>>
    %dma_wait3A_449 = arith.constant 0 : i32
    %dma_wait3A_450 = tpu.memref_slice %arg6[%dma_wait3A_445, %dma_wait3A_449] : memref<8x64xi32, #tpu.memory_space<vmem>> -> memref<1x64xi32, #tpu.memory_space<vmem>>
    %dma_wait3A_451 = tpu.memref_squeeze %dma_wait3A_450 : memref<1x64xi32, #tpu.memory_space<vmem>> -> memref<64xi32, #tpu.memory_space<vmem>>
    %dma_wait3A_452 = arith.constant 0 : i32
    %dma_wait3A_453 = arith.constant 0 : i32
    %dma_wait3A_454 = tpu.memref_slice %arg7[%dma_wait3A_452, %dma_wait3A_453] : memref<21x128xf32, #tpu.memory_space<vmem_shared>> -> memref<21x128xf32, #tpu.memory_space<vmem_shared>>
    tpu.wait_indirect_dma semaphore(%arg12 : memref<!tpu.dma_semaphore, #tpu.memory_space<semaphore_mem>>) src(%dma_wait3A_454 : memref<21x128xf32, #tpu.memory_space<vmem_shared>>) dst(%dma_wait3A_448 : memref<64x128xf32, #tpu.memory_space<vmem>>)
    %add3A_455 = arith.constant 192 : i32
    %add3A_456 = arith.addi %mul3A_2, %add3A_455 : i32
    %dma_start3A_457 = arith.constant 192 : i32
    %dma_start3A_458 = arith.constant 0 : i32
    %dma_start3A_459 = tpu.memref_slice %arg8[%dma_start3A_457, %dma_start3A_458] : memref<512x128xf32, #tpu.memory_space<vmem>> -> memref<64x128xf32, #tpu.memory_space<vmem>>
    %dma_start3A_460 = arith.constant 0 : i32
    %dma_start3A_461 = tpu.memref_slice %arg4[%add3A_456, %dma_start3A_460] : memref<16384x128xf32, #tpu.memory_space<hbm>> -> memref<64x128xf32, #tpu.memory_space<hbm>>
    %dma_start3A_462 = arith.constant 0 : i32
    %dma_start3A_463 = tpu.memref_slice %arg4[%add3A_456, %dma_start3A_462] : memref<16384x128xf32, #tpu.memory_space<hbm>> -> memref<64x128xf32, #tpu.memory_space<hbm>>
    %dma_start3A_464 = arith.constant 192 : i32
    %dma_start3A_465 = arith.constant 0 : i32
    %dma_start3A_466 = tpu.memref_slice %arg8[%dma_start3A_464, %dma_start3A_465] : memref<512x128xf32, #tpu.memory_space<vmem>> -> memref<64x128xf32, #tpu.memory_space<vmem>>
    tpu.enqueue_dma source(%dma_start3A_466 : memref<64x128xf32, #tpu.memory_space<vmem>>) target(%dma_start3A_463 : memref<64x128xf32, #tpu.memory_space<hbm>>) target_semaphore(%arg17 : memref<!tpu.dma_semaphore, #tpu.memory_space<semaphore_mem>>)
    %dma_wait3A_467 = arith.constant 4 : i32
    %dma_wait3A_468 = arith.constant 256 : i32
    %dma_wait3A_469 = arith.constant 0 : i32
    %dma_wait3A_470 = tpu.memref_slice %arg8[%dma_wait3A_468, %dma_wait3A_469] : memref<512x128xf32, #tpu.memory_space<vmem>> -> memref<64x128xf32, #tpu.memory_space<vmem>>
    %dma_wait3A_471 = arith.constant 0 : i32
    %dma_wait3A_472 = tpu.memref_slice %arg6[%dma_wait3A_467, %dma_wait3A_471] : memref<8x64xi32, #tpu.memory_space<vmem>> -> memref<1x64xi32, #tpu.memory_space<vmem>>
    %dma_wait3A_473 = tpu.memref_squeeze %dma_wait3A_472 : memref<1x64xi32, #tpu.memory_space<vmem>> -> memref<64xi32, #tpu.memory_space<vmem>>
    %dma_wait3A_474 = arith.constant 0 : i32
    %dma_wait3A_475 = arith.constant 0 : i32
    %dma_wait3A_476 = tpu.memref_slice %arg7[%dma_wait3A_474, %dma_wait3A_475] : memref<21x128xf32, #tpu.memory_space<vmem_shared>> -> memref<21x128xf32, #tpu.memory_space<vmem_shared>>
    tpu.wait_indirect_dma semaphore(%arg13 : memref<!tpu.dma_semaphore, #tpu.memory_space<semaphore_mem>>) src(%dma_wait3A_476 : memref<21x128xf32, #tpu.memory_space<vmem_shared>>) dst(%dma_wait3A_470 : memref<64x128xf32, #tpu.memory_space<vmem>>)
    %add3A_477 = arith.constant 256 : i32
    %add3A_478 = arith.addi %mul3A_2, %add3A_477 : i32
    %dma_start3A_479 = arith.constant 256 : i32
    %dma_start3A_480 = arith.constant 0 : i32
    %dma_start3A_481 = tpu.memref_slice %arg8[%dma_start3A_479, %dma_start3A_480] : memref<512x128xf32, #tpu.memory_space<vmem>> -> memref<64x128xf32, #tpu.memory_space<vmem>>
    %dma_start3A_482 = arith.constant 0 : i32
    %dma_start3A_483 = tpu.memref_slice %arg4[%add3A_478, %dma_start3A_482] : memref<16384x128xf32, #tpu.memory_space<hbm>> -> memref<64x128xf32, #tpu.memory_space<hbm>>
    %dma_start3A_484 = arith.constant 0 : i32
    %dma_start3A_485 = tpu.memref_slice %arg4[%add3A_478, %dma_start3A_484] : memref<16384x128xf32, #tpu.memory_space<hbm>> -> memref<64x128xf32, #tpu.memory_space<hbm>>
    %dma_start3A_486 = arith.constant 256 : i32
    %dma_start3A_487 = arith.constant 0 : i32
    %dma_start3A_488 = tpu.memref_slice %arg8[%dma_start3A_486, %dma_start3A_487] : memref<512x128xf32, #tpu.memory_space<vmem>> -> memref<64x128xf32, #tpu.memory_space<vmem>>
    tpu.enqueue_dma source(%dma_start3A_488 : memref<64x128xf32, #tpu.memory_space<vmem>>) target(%dma_start3A_485 : memref<64x128xf32, #tpu.memory_space<hbm>>) target_semaphore(%arg17 : memref<!tpu.dma_semaphore, #tpu.memory_space<semaphore_mem>>)
    %dma_wait3A_489 = arith.constant 5 : i32
    %dma_wait3A_490 = arith.constant 320 : i32
    %dma_wait3A_491 = arith.constant 0 : i32
    %dma_wait3A_492 = tpu.memref_slice %arg8[%dma_wait3A_490, %dma_wait3A_491] : memref<512x128xf32, #tpu.memory_space<vmem>> -> memref<64x128xf32, #tpu.memory_space<vmem>>
    %dma_wait3A_493 = arith.constant 0 : i32
    %dma_wait3A_494 = tpu.memref_slice %arg6[%dma_wait3A_489, %dma_wait3A_493] : memref<8x64xi32, #tpu.memory_space<vmem>> -> memref<1x64xi32, #tpu.memory_space<vmem>>
    %dma_wait3A_495 = tpu.memref_squeeze %dma_wait3A_494 : memref<1x64xi32, #tpu.memory_space<vmem>> -> memref<64xi32, #tpu.memory_space<vmem>>
    %dma_wait3A_496 = arith.constant 0 : i32
    %dma_wait3A_497 = arith.constant 0 : i32
    %dma_wait3A_498 = tpu.memref_slice %arg7[%dma_wait3A_496, %dma_wait3A_497] : memref<21x128xf32, #tpu.memory_space<vmem_shared>> -> memref<21x128xf32, #tpu.memory_space<vmem_shared>>
    tpu.wait_indirect_dma semaphore(%arg14 : memref<!tpu.dma_semaphore, #tpu.memory_space<semaphore_mem>>) src(%dma_wait3A_498 : memref<21x128xf32, #tpu.memory_space<vmem_shared>>) dst(%dma_wait3A_492 : memref<64x128xf32, #tpu.memory_space<vmem>>)
    %add3A_499 = arith.constant 320 : i32
    %add3A_500 = arith.addi %mul3A_2, %add3A_499 : i32
    %dma_start3A_501 = arith.constant 320 : i32
    %dma_start3A_502 = arith.constant 0 : i32
    %dma_start3A_503 = tpu.memref_slice %arg8[%dma_start3A_501, %dma_start3A_502] : memref<512x128xf32, #tpu.memory_space<vmem>> -> memref<64x128xf32, #tpu.memory_space<vmem>>
    %dma_start3A_504 = arith.constant 0 : i32
    %dma_start3A_505 = tpu.memref_slice %arg4[%add3A_500, %dma_start3A_504] : memref<16384x128xf32, #tpu.memory_space<hbm>> -> memref<64x128xf32, #tpu.memory_space<hbm>>
    %dma_start3A_506 = arith.constant 0 : i32
    %dma_start3A_507 = tpu.memref_slice %arg4[%add3A_500, %dma_start3A_506] : memref<16384x128xf32, #tpu.memory_space<hbm>> -> memref<64x128xf32, #tpu.memory_space<hbm>>
    %dma_start3A_508 = arith.constant 320 : i32
    %dma_start3A_509 = arith.constant 0 : i32
    %dma_start3A_510 = tpu.memref_slice %arg8[%dma_start3A_508, %dma_start3A_509] : memref<512x128xf32, #tpu.memory_space<vmem>> -> memref<64x128xf32, #tpu.memory_space<vmem>>
    tpu.enqueue_dma source(%dma_start3A_510 : memref<64x128xf32, #tpu.memory_space<vmem>>) target(%dma_start3A_507 : memref<64x128xf32, #tpu.memory_space<hbm>>) target_semaphore(%arg17 : memref<!tpu.dma_semaphore, #tpu.memory_space<semaphore_mem>>)
    %dma_wait3A_511 = arith.constant 6 : i32
    %dma_wait3A_512 = arith.constant 384 : i32
    %dma_wait3A_513 = arith.constant 0 : i32
    %dma_wait3A_514 = tpu.memref_slice %arg8[%dma_wait3A_512, %dma_wait3A_513] : memref<512x128xf32, #tpu.memory_space<vmem>> -> memref<64x128xf32, #tpu.memory_space<vmem>>
    %dma_wait3A_515 = arith.constant 0 : i32
    %dma_wait3A_516 = tpu.memref_slice %arg6[%dma_wait3A_511, %dma_wait3A_515] : memref<8x64xi32, #tpu.memory_space<vmem>> -> memref<1x64xi32, #tpu.memory_space<vmem>>
    %dma_wait3A_517 = tpu.memref_squeeze %dma_wait3A_516 : memref<1x64xi32, #tpu.memory_space<vmem>> -> memref<64xi32, #tpu.memory_space<vmem>>
    %dma_wait3A_518 = arith.constant 0 : i32
    %dma_wait3A_519 = arith.constant 0 : i32
    %dma_wait3A_520 = tpu.memref_slice %arg7[%dma_wait3A_518, %dma_wait3A_519] : memref<21x128xf32, #tpu.memory_space<vmem_shared>> -> memref<21x128xf32, #tpu.memory_space<vmem_shared>>
    tpu.wait_indirect_dma semaphore(%arg15 : memref<!tpu.dma_semaphore, #tpu.memory_space<semaphore_mem>>) src(%dma_wait3A_520 : memref<21x128xf32, #tpu.memory_space<vmem_shared>>) dst(%dma_wait3A_514 : memref<64x128xf32, #tpu.memory_space<vmem>>)
    %add3A_521 = arith.constant 384 : i32
    %add3A_522 = arith.addi %mul3A_2, %add3A_521 : i32
    %dma_start3A_523 = arith.constant 384 : i32
    %dma_start3A_524 = arith.constant 0 : i32
    %dma_start3A_525 = tpu.memref_slice %arg8[%dma_start3A_523, %dma_start3A_524] : memref<512x128xf32, #tpu.memory_space<vmem>> -> memref<64x128xf32, #tpu.memory_space<vmem>>
    %dma_start3A_526 = arith.constant 0 : i32
    %dma_start3A_527 = tpu.memref_slice %arg4[%add3A_522, %dma_start3A_526] : memref<16384x128xf32, #tpu.memory_space<hbm>> -> memref<64x128xf32, #tpu.memory_space<hbm>>
    %dma_start3A_528 = arith.constant 0 : i32
    %dma_start3A_529 = tpu.memref_slice %arg4[%add3A_522, %dma_start3A_528] : memref<16384x128xf32, #tpu.memory_space<hbm>> -> memref<64x128xf32, #tpu.memory_space<hbm>>
    %dma_start3A_530 = arith.constant 384 : i32
    %dma_start3A_531 = arith.constant 0 : i32
    %dma_start3A_532 = tpu.memref_slice %arg8[%dma_start3A_530, %dma_start3A_531] : memref<512x128xf32, #tpu.memory_space<vmem>> -> memref<64x128xf32, #tpu.memory_space<vmem>>
    tpu.enqueue_dma source(%dma_start3A_532 : memref<64x128xf32, #tpu.memory_space<vmem>>) target(%dma_start3A_529 : memref<64x128xf32, #tpu.memory_space<hbm>>) target_semaphore(%arg17 : memref<!tpu.dma_semaphore, #tpu.memory_space<semaphore_mem>>)
    %dma_wait3A_533 = arith.constant 7 : i32
    %dma_wait3A_534 = arith.constant 448 : i32
    %dma_wait3A_535 = arith.constant 0 : i32
    %dma_wait3A_536 = tpu.memref_slice %arg8[%dma_wait3A_534, %dma_wait3A_535] : memref<512x128xf32, #tpu.memory_space<vmem>> -> memref<64x128xf32, #tpu.memory_space<vmem>>
    %dma_wait3A_537 = arith.constant 0 : i32
    %dma_wait3A_538 = tpu.memref_slice %arg6[%dma_wait3A_533, %dma_wait3A_537] : memref<8x64xi32, #tpu.memory_space<vmem>> -> memref<1x64xi32, #tpu.memory_space<vmem>>
    %dma_wait3A_539 = tpu.memref_squeeze %dma_wait3A_538 : memref<1x64xi32, #tpu.memory_space<vmem>> -> memref<64xi32, #tpu.memory_space<vmem>>
    %dma_wait3A_540 = arith.constant 0 : i32
    %dma_wait3A_541 = arith.constant 0 : i32
    %dma_wait3A_542 = tpu.memref_slice %arg7[%dma_wait3A_540, %dma_wait3A_541] : memref<21x128xf32, #tpu.memory_space<vmem_shared>> -> memref<21x128xf32, #tpu.memory_space<vmem_shared>>
    tpu.wait_indirect_dma semaphore(%arg16 : memref<!tpu.dma_semaphore, #tpu.memory_space<semaphore_mem>>) src(%dma_wait3A_542 : memref<21x128xf32, #tpu.memory_space<vmem_shared>>) dst(%dma_wait3A_536 : memref<64x128xf32, #tpu.memory_space<vmem>>)
    %add3A_543 = arith.constant 448 : i32
    %add3A_544 = arith.addi %mul3A_2, %add3A_543 : i32
    %dma_start3A_545 = arith.constant 448 : i32
    %dma_start3A_546 = arith.constant 0 : i32
    %dma_start3A_547 = tpu.memref_slice %arg8[%dma_start3A_545, %dma_start3A_546] : memref<512x128xf32, #tpu.memory_space<vmem>> -> memref<64x128xf32, #tpu.memory_space<vmem>>
    %dma_start3A_548 = arith.constant 0 : i32
    %dma_start3A_549 = tpu.memref_slice %arg4[%add3A_544, %dma_start3A_548] : memref<16384x128xf32, #tpu.memory_space<hbm>> -> memref<64x128xf32, #tpu.memory_space<hbm>>
    %dma_start3A_550 = arith.constant 0 : i32
    %dma_start3A_551 = tpu.memref_slice %arg4[%add3A_544, %dma_start3A_550] : memref<16384x128xf32, #tpu.memory_space<hbm>> -> memref<64x128xf32, #tpu.memory_space<hbm>>
    %dma_start3A_552 = arith.constant 448 : i32
    %dma_start3A_553 = arith.constant 0 : i32
    %dma_start3A_554 = tpu.memref_slice %arg8[%dma_start3A_552, %dma_start3A_553] : memref<512x128xf32, #tpu.memory_space<vmem>> -> memref<64x128xf32, #tpu.memory_space<vmem>>
    tpu.enqueue_dma source(%dma_start3A_554 : memref<64x128xf32, #tpu.memory_space<vmem>>) target(%dma_start3A_551 : memref<64x128xf32, #tpu.memory_space<hbm>>) target_semaphore(%arg17 : memref<!tpu.dma_semaphore, #tpu.memory_space<semaphore_mem>>)
    %dma_wait3A_555 = arith.constant 0 : i32
    %dma_wait3A_556 = arith.constant 0 : i32
    %dma_wait3A_557 = tpu.memref_slice %arg8[%dma_wait3A_555, %dma_wait3A_556] : memref<512x128xf32, #tpu.memory_space<vmem>> -> memref<64x128xf32, #tpu.memory_space<vmem>>
    %dma_wait3A_558 = arith.constant 0 : i32
    %dma_wait3A_559 = tpu.memref_slice %arg4[%add3A_390, %dma_wait3A_558] : memref<16384x128xf32, #tpu.memory_space<hbm>> -> memref<64x128xf32, #tpu.memory_space<hbm>>
    %dma_wait3A_560 = arith.constant 0 : i32
    %dma_wait3A_561 = tpu.memref_slice %arg4[%add3A_390, %dma_wait3A_560] : memref<16384x128xf32, #tpu.memory_space<hbm>> -> memref<64x128xf32, #tpu.memory_space<hbm>>
    %dma_wait3A_562 = arith.constant 0 : i32
    %dma_wait3A_563 = arith.constant 0 : i32
    %dma_wait3A_564 = tpu.memref_slice %arg8[%dma_wait3A_562, %dma_wait3A_563] : memref<512x128xf32, #tpu.memory_space<vmem>> -> memref<64x128xf32, #tpu.memory_space<vmem>>
    tpu.wait_dma2 semaphore(%arg17 : memref<!tpu.dma_semaphore, #tpu.memory_space<semaphore_mem>>) src(%dma_wait3A_564 : memref<64x128xf32, #tpu.memory_space<vmem>>) dst(%dma_wait3A_561 : memref<64x128xf32, #tpu.memory_space<hbm>>)
    %dma_wait3A_565 = arith.constant 64 : i32
    %dma_wait3A_566 = arith.constant 0 : i32
    %dma_wait3A_567 = tpu.memref_slice %arg8[%dma_wait3A_565, %dma_wait3A_566] : memref<512x128xf32, #tpu.memory_space<vmem>> -> memref<64x128xf32, #tpu.memory_space<vmem>>
    %dma_wait3A_568 = arith.constant 0 : i32
    %dma_wait3A_569 = tpu.memref_slice %arg4[%add3A_412, %dma_wait3A_568] : memref<16384x128xf32, #tpu.memory_space<hbm>> -> memref<64x128xf32, #tpu.memory_space<hbm>>
    %dma_wait3A_570 = arith.constant 0 : i32
    %dma_wait3A_571 = tpu.memref_slice %arg4[%add3A_412, %dma_wait3A_570] : memref<16384x128xf32, #tpu.memory_space<hbm>> -> memref<64x128xf32, #tpu.memory_space<hbm>>
    %dma_wait3A_572 = arith.constant 64 : i32
    %dma_wait3A_573 = arith.constant 0 : i32
    %dma_wait3A_574 = tpu.memref_slice %arg8[%dma_wait3A_572, %dma_wait3A_573] : memref<512x128xf32, #tpu.memory_space<vmem>> -> memref<64x128xf32, #tpu.memory_space<vmem>>
    tpu.wait_dma2 semaphore(%arg17 : memref<!tpu.dma_semaphore, #tpu.memory_space<semaphore_mem>>) src(%dma_wait3A_574 : memref<64x128xf32, #tpu.memory_space<vmem>>) dst(%dma_wait3A_571 : memref<64x128xf32, #tpu.memory_space<hbm>>)
    %dma_wait3A_575 = arith.constant 128 : i32
    %dma_wait3A_576 = arith.constant 0 : i32
    %dma_wait3A_577 = tpu.memref_slice %arg8[%dma_wait3A_575, %dma_wait3A_576] : memref<512x128xf32, #tpu.memory_space<vmem>> -> memref<64x128xf32, #tpu.memory_space<vmem>>
    %dma_wait3A_578 = arith.constant 0 : i32
    %dma_wait3A_579 = tpu.memref_slice %arg4[%add3A_434, %dma_wait3A_578] : memref<16384x128xf32, #tpu.memory_space<hbm>> -> memref<64x128xf32, #tpu.memory_space<hbm>>
    %dma_wait3A_580 = arith.constant 0 : i32
    %dma_wait3A_581 = tpu.memref_slice %arg4[%add3A_434, %dma_wait3A_580] : memref<16384x128xf32, #tpu.memory_space<hbm>> -> memref<64x128xf32, #tpu.memory_space<hbm>>
    %dma_wait3A_582 = arith.constant 128 : i32
    %dma_wait3A_583 = arith.constant 0 : i32
    %dma_wait3A_584 = tpu.memref_slice %arg8[%dma_wait3A_582, %dma_wait3A_583] : memref<512x128xf32, #tpu.memory_space<vmem>> -> memref<64x128xf32, #tpu.memory_space<vmem>>
    tpu.wait_dma2 semaphore(%arg17 : memref<!tpu.dma_semaphore, #tpu.memory_space<semaphore_mem>>) src(%dma_wait3A_584 : memref<64x128xf32, #tpu.memory_space<vmem>>) dst(%dma_wait3A_581 : memref<64x128xf32, #tpu.memory_space<hbm>>)
    %dma_wait3A_585 = arith.constant 192 : i32
    %dma_wait3A_586 = arith.constant 0 : i32
    %dma_wait3A_587 = tpu.memref_slice %arg8[%dma_wait3A_585, %dma_wait3A_586] : memref<512x128xf32, #tpu.memory_space<vmem>> -> memref<64x128xf32, #tpu.memory_space<vmem>>
    %dma_wait3A_588 = arith.constant 0 : i32
    %dma_wait3A_589 = tpu.memref_slice %arg4[%add3A_456, %dma_wait3A_588] : memref<16384x128xf32, #tpu.memory_space<hbm>> -> memref<64x128xf32, #tpu.memory_space<hbm>>
    %dma_wait3A_590 = arith.constant 0 : i32
    %dma_wait3A_591 = tpu.memref_slice %arg4[%add3A_456, %dma_wait3A_590] : memref<16384x128xf32, #tpu.memory_space<hbm>> -> memref<64x128xf32, #tpu.memory_space<hbm>>
    %dma_wait3A_592 = arith.constant 192 : i32
    %dma_wait3A_593 = arith.constant 0 : i32
    %dma_wait3A_594 = tpu.memref_slice %arg8[%dma_wait3A_592, %dma_wait3A_593] : memref<512x128xf32, #tpu.memory_space<vmem>> -> memref<64x128xf32, #tpu.memory_space<vmem>>
    tpu.wait_dma2 semaphore(%arg17 : memref<!tpu.dma_semaphore, #tpu.memory_space<semaphore_mem>>) src(%dma_wait3A_594 : memref<64x128xf32, #tpu.memory_space<vmem>>) dst(%dma_wait3A_591 : memref<64x128xf32, #tpu.memory_space<hbm>>)
    %dma_wait3A_595 = arith.constant 256 : i32
    %dma_wait3A_596 = arith.constant 0 : i32
    %dma_wait3A_597 = tpu.memref_slice %arg8[%dma_wait3A_595, %dma_wait3A_596] : memref<512x128xf32, #tpu.memory_space<vmem>> -> memref<64x128xf32, #tpu.memory_space<vmem>>
    %dma_wait3A_598 = arith.constant 0 : i32
    %dma_wait3A_599 = tpu.memref_slice %arg4[%add3A_478, %dma_wait3A_598] : memref<16384x128xf32, #tpu.memory_space<hbm>> -> memref<64x128xf32, #tpu.memory_space<hbm>>
    %dma_wait3A_600 = arith.constant 0 : i32
    %dma_wait3A_601 = tpu.memref_slice %arg4[%add3A_478, %dma_wait3A_600] : memref<16384x128xf32, #tpu.memory_space<hbm>> -> memref<64x128xf32, #tpu.memory_space<hbm>>
    %dma_wait3A_602 = arith.constant 256 : i32
    %dma_wait3A_603 = arith.constant 0 : i32
    %dma_wait3A_604 = tpu.memref_slice %arg8[%dma_wait3A_602, %dma_wait3A_603] : memref<512x128xf32, #tpu.memory_space<vmem>> -> memref<64x128xf32, #tpu.memory_space<vmem>>
    tpu.wait_dma2 semaphore(%arg17 : memref<!tpu.dma_semaphore, #tpu.memory_space<semaphore_mem>>) src(%dma_wait3A_604 : memref<64x128xf32, #tpu.memory_space<vmem>>) dst(%dma_wait3A_601 : memref<64x128xf32, #tpu.memory_space<hbm>>)
    %dma_wait3A_605 = arith.constant 320 : i32
    %dma_wait3A_606 = arith.constant 0 : i32
    %dma_wait3A_607 = tpu.memref_slice %arg8[%dma_wait3A_605, %dma_wait3A_606] : memref<512x128xf32, #tpu.memory_space<vmem>> -> memref<64x128xf32, #tpu.memory_space<vmem>>
    %dma_wait3A_608 = arith.constant 0 : i32
    %dma_wait3A_609 = tpu.memref_slice %arg4[%add3A_500, %dma_wait3A_608] : memref<16384x128xf32, #tpu.memory_space<hbm>> -> memref<64x128xf32, #tpu.memory_space<hbm>>
    %dma_wait3A_610 = arith.constant 0 : i32
    %dma_wait3A_611 = tpu.memref_slice %arg4[%add3A_500, %dma_wait3A_610] : memref<16384x128xf32, #tpu.memory_space<hbm>> -> memref<64x128xf32, #tpu.memory_space<hbm>>
    %dma_wait3A_612 = arith.constant 320 : i32
    %dma_wait3A_613 = arith.constant 0 : i32
    %dma_wait3A_614 = tpu.memref_slice %arg8[%dma_wait3A_612, %dma_wait3A_613] : memref<512x128xf32, #tpu.memory_space<vmem>> -> memref<64x128xf32, #tpu.memory_space<vmem>>
    tpu.wait_dma2 semaphore(%arg17 : memref<!tpu.dma_semaphore, #tpu.memory_space<semaphore_mem>>) src(%dma_wait3A_614 : memref<64x128xf32, #tpu.memory_space<vmem>>) dst(%dma_wait3A_611 : memref<64x128xf32, #tpu.memory_space<hbm>>)
    %dma_wait3A_615 = arith.constant 384 : i32
    %dma_wait3A_616 = arith.constant 0 : i32
    %dma_wait3A_617 = tpu.memref_slice %arg8[%dma_wait3A_615, %dma_wait3A_616] : memref<512x128xf32, #tpu.memory_space<vmem>> -> memref<64x128xf32, #tpu.memory_space<vmem>>
    %dma_wait3A_618 = arith.constant 0 : i32
    %dma_wait3A_619 = tpu.memref_slice %arg4[%add3A_522, %dma_wait3A_618] : memref<16384x128xf32, #tpu.memory_space<hbm>> -> memref<64x128xf32, #tpu.memory_space<hbm>>
    %dma_wait3A_620 = arith.constant 0 : i32
    %dma_wait3A_621 = tpu.memref_slice %arg4[%add3A_522, %dma_wait3A_620] : memref<16384x128xf32, #tpu.memory_space<hbm>> -> memref<64x128xf32, #tpu.memory_space<hbm>>
    %dma_wait3A_622 = arith.constant 384 : i32
    %dma_wait3A_623 = arith.constant 0 : i32
    %dma_wait3A_624 = tpu.memref_slice %arg8[%dma_wait3A_622, %dma_wait3A_623] : memref<512x128xf32, #tpu.memory_space<vmem>> -> memref<64x128xf32, #tpu.memory_space<vmem>>
    tpu.wait_dma2 semaphore(%arg17 : memref<!tpu.dma_semaphore, #tpu.memory_space<semaphore_mem>>) src(%dma_wait3A_624 : memref<64x128xf32, #tpu.memory_space<vmem>>) dst(%dma_wait3A_621 : memref<64x128xf32, #tpu.memory_space<hbm>>)
    %dma_wait3A_625 = arith.constant 448 : i32
    %dma_wait3A_626 = arith.constant 0 : i32
    %dma_wait3A_627 = tpu.memref_slice %arg8[%dma_wait3A_625, %dma_wait3A_626] : memref<512x128xf32, #tpu.memory_space<vmem>> -> memref<64x128xf32, #tpu.memory_space<vmem>>
    %dma_wait3A_628 = arith.constant 0 : i32
    %dma_wait3A_629 = tpu.memref_slice %arg4[%add3A_544, %dma_wait3A_628] : memref<16384x128xf32, #tpu.memory_space<hbm>> -> memref<64x128xf32, #tpu.memory_space<hbm>>
    %dma_wait3A_630 = arith.constant 0 : i32
    %dma_wait3A_631 = tpu.memref_slice %arg4[%add3A_544, %dma_wait3A_630] : memref<16384x128xf32, #tpu.memory_space<hbm>> -> memref<64x128xf32, #tpu.memory_space<hbm>>
    %dma_wait3A_632 = arith.constant 448 : i32
    %dma_wait3A_633 = arith.constant 0 : i32
    %dma_wait3A_634 = tpu.memref_slice %arg8[%dma_wait3A_632, %dma_wait3A_633] : memref<512x128xf32, #tpu.memory_space<vmem>> -> memref<64x128xf32, #tpu.memory_space<vmem>>
    tpu.wait_dma2 semaphore(%arg17 : memref<!tpu.dma_semaphore, #tpu.memory_space<semaphore_mem>>) src(%dma_wait3A_634 : memref<64x128xf32, #tpu.memory_space<vmem>>) dst(%dma_wait3A_631 : memref<64x128xf32, #tpu.memory_space<hbm>>)
    return
  }
}

</mosaic_0001>

<sc_bundles>
// kernel: kernel.3.cloned.1.call-start
scs
__scs_entry_jumppad:
0x0: {  	(pc) =	sbr.rel $0x88, $3  }
0x1: {  	(tag) =	ssettag $0x0;
	lr =	simm.s32 $0x1  }
0x2: {  	[smem:$0x3F9F] =	sst lr;
	_ =	strace $0xD0000000  }
0x3: {  	_ = 	snop  }
0x4: {  	_ = 	snop  }
0x5: {  	_ = 	snop  }
0x6: {  	_ = 	snop  }
0x7: {  	_ = 	snop  }
__scs_overlays_trampoline_lowered:
0x8: {  	[smem:$0x3FAE] =	sst s0  }
0x9: {  	[smem:$0x3FAF] =	sst s1  }
0xa: {  	[smem:$0x3FB0] =	sst s2  }
0xb: {  	[smem:$0x3FB1] =	sst s3  }
0xc: {  	[smem:$0x3FB2] =	sst s4  }
0xd: {  	[smem:$0x3FB3] =	sst s5  }
0xe: {  	[smem:$0x3FB4] =	sst s6  }
0xf: {  	[smem:$0x3FB5] =	sst s7  }
0x10: {  	[smem:$0x3FB6] =	sst s8  }
0x11: {  	[smem:$0x3FB7] =	sst s9;
	s0 =	simm.s32 @!p0 $0x0  }
0x12: {  	s1 =	sld [smem:$0x3F9D];
	s0 =	simm.s32 @p0 $0x1  }
0x13: {  	[smem:$0x3FB8] =	sst s0;
	s0 =	simm.s32 @!p1 $0x0  }
0x14: {  	s2 =	sld [smem:$0x3F9C];
	s0 =	simm.s32 @p1 $0x1  }
0x15: {  	[smem:$0x3FB9] =	sst s0;
	s0 =	simm.s32 @!p2 $0x0  }
0x16: {  	s3 =	sld [smem:$0x3FDB];
	s0 =	simm.s32 @p2 $0x1  }
0x17: {  	s4 =	simm.s32 $0x1BF5;
	[smem:$0x3FBB] =	sst s0  }
0x18: {  	s0 =	sld [smem:$0x3F9E];
	_ =	swait.ge [sflag:s4], $0x0  }
0x19: {  	s7 =	sld [smem:$0x3F9F]  }
0x1a: {  	s8 =	sadd.s32 $0xFFFFE003, lr  }
0x1b: {  	s9 =	sadd.s32 $0xFFFFFEF7, lr;
	s5 =	simm.s32 $0xFFFFFFFF;
	p2 =	slt.u32 s8, $0xFFFFF086  }
0x1c: {  	p1 =	slt.u32 s9, $0xF7A;
	s5 =	simm.s32 @!p2 $0x0  }
0x1d: {  	s5 =	simm.s32 @p1 $0x1;
	p0 =	seq.s32 s7, s2  }
0x1e: {  	s7 =	smul.u32 @!p0 $0xF7A, s2;
	p2 =	seq.s32 @!p0 s5, $0x0  }
0x1f: {  	s9 =	smul.u32 $0xF7A, s1;
	s8 =	simm.s32 @!p0 $0x1BF5;
	p2 =	por !p2, p0  }
0x20: {  	[sflag:s8] =	ssyncset.s32 @!p0 $0xFFFFF086;
	s6 =	sadd.s32 @!p0 s3, s7;
	s7 =	simm.s32 @!p0 $0x108  }
0x21: {  	s3 =	sadd.s32 s3, s9;
	s6 =	sadd.s32 @!p0 $0x88, s6;
	s7 =	simm.s32 @p2 $0x1082  }
0x22: {  	[simem:s7], [sflag:s8] =	dma.local @!p0 [hbm:s6], $0xF7A  }
0x23: {  	s9 =	sor.u32 $0xD0000000, s2;
	s6 =	simm.s32 $0x108;
	_ =	swait.ge @!p0 [sflag:s8], $0x0  }
0x24: {  	s3 =	sadd.s32 $0x88, s3;
	s6 =	simm.s32 @!p1 $0x1082;
	[sflag:s4] =	ssyncset.s32 $0xFFFFF086  }
0x25: {  	[simem:s6], [sflag:s4] =	dma.local [hbm:s3], $0xF7A  }
0x26: {  	[smem:$0x3F9F] =	sst s1;
	(tag) =	ssettag s2;
	_ =	strace s9  }
0x27: {  	s1 =	sld [smem:$0x3FAF]  }
0x28: {  	s2 =	sld [smem:$0x3FB0]  }
0x29: {  	s4 =	sld [smem:$0x3FB2]  }
0x2a: {  	p0 =	seq.s32 s5, $0x0;
	s5 =	sld [smem:$0x3FB3]  }
0x2b: {  	s6 =	sld [smem:$0x3FB4]  }
0x2c: {  	s7 =	sld [smem:$0x3FB5]  }
0x2d: {  	s3 =	simm.s32 $0x108;
	s8 =	sld [smem:$0x3FB6]  }
0x2e: {  	s3 =	simm.s32 @!p0 $0x1082;
	s9 =	sld [smem:$0x3FB7]  }
0x2f: {  	lr =	sadd.s32 s0, s3;
	s0 =	sld [smem:$0x3FAE]  }
0x30: {  	s3 =	sld [smem:$0x3FB1]  }
0x31: {  	[smem:$0x3FBA] =	sst s10  }
0x32: {  	s10 =	sld [smem:$0x3FB8];
	_ =	sdelay $0x3  }
0x33: {  	p0 =	seq.s32 s10, $0x1;
	s10 =	sld [smem:$0x3FBA];
	_ =	sdelay $0x3  }
0x34: {  	[smem:$0x3FBA] =	sst s10  }
0x35: {  	s10 =	sld [smem:$0x3FB9];
	_ =	sdelay $0x3  }
0x36: {  	p1 =	seq.s32 s10, $0x1;
	s10 =	sld [smem:$0x3FBA];
	_ =	sdelay $0x3  }
0x37: {  	[smem:$0x3FBA] =	sst s10  }
0x38: {  	s10 =	sld [smem:$0x3FBB]  }
0x39: {  	_ = 	snop;
	(pc) =	sbr.ind lr, $3  }
0x3a: {  	_ = 	snop  }
0x3b: {  	_ = 	snop  }
0x3c: {  	p2 =	seq.s32 s10, $0x1;
	s10 =	sld [smem:$0x3FBA]  }
0x3d: {  	_ =	shalt  }
0x3e: {  	_ =	shalt  }
0x3f: {  	_ =	shalt  }
0x40: {  	_ =	shalt  }
0x41: {  	_ =	shalt  }
0x42: {  	_ =	shalt  }
0x43: {  	_ =	shalt  }
0x44: {  	_ =	shalt  }
0x45: {  	_ =	shalt  }
0x46: {  	_ =	shalt  }
0x47: {  	_ =	shalt  }
0x48: {  	_ =	shalt  }
0x49: {  	_ =	shalt  }
0x4a: {  	_ =	shalt  }
0x4b: {  	_ =	shalt  }
0x4c: {  	_ =	shalt  }
0x4d: {  	_ =	shalt  }
0x4e: {  	_ =	shalt  }
0x4f: {  	_ =	shalt  }
0x50: {  	_ =	shalt  }
0x51: {  	_ =	shalt  }
0x52: {  	_ =	shalt  }
0x53: {  	_ =	shalt  }
0x54: {  	_ =	shalt  }
0x55: {  	_ =	shalt  }
0x56: {  	_ =	shalt  }
0x57: {  	_ =	shalt  }
0x58: {  	_ =	shalt  }
0x59: {  	_ =	shalt  }
0x5a: {  	_ =	shalt  }
0x5b: {  	_ =	shalt  }
0x5c: {  	_ =	shalt  }
0x5d: {  	_ =	shalt  }
0x5e: {  	_ =	shalt  }
0x5f: {  	_ =	shalt  }
0x60: {  	_ =	shalt  }
0x61: {  	_ =	shalt  }
0x62: {  	_ =	shalt  }
0x63: {  	_ =	shalt  }
0x64: {  	_ =	shalt  }
0x65: {  	_ =	shalt  }
0x66: {  	_ =	shalt  }
0x67: {  	_ =	shalt  }
0x68: {  	_ =	shalt  }
0x69: {  	_ =	shalt  }
0x6a: {  	_ =	shalt  }
0x6b: {  	_ =	shalt  }
0x6c: {  	_ =	shalt  }
0x6d: {  	_ =	shalt  }
0x6e: {  	_ =	shalt  }
0x6f: {  	_ =	shalt  }
0x70: {  	_ =	shalt  }
0x71: {  	_ =	shalt  }
0x72: {  	_ =	shalt  }
0x73: {  	_ =	shalt  }
0x74: {  	_ =	shalt  }
0x75: {  	_ =	shalt  }
0x76: {  	_ =	shalt  }
0x77: {  	_ =	shalt  }
0x78: {  	_ =	shalt  }
0x79: {  	_ =	shalt  }
0x7a: {  	_ =	shalt  }
0x7b: {  	_ =	shalt  }
0x7c: {  	_ =	shalt  }
0x7d: {  	_ =	shalt  }
0x7e: {  	_ =	shalt  }
0x7f: {  	_ =	shalt  }
0x80: {  	_ =	shalt  }
0x81: {  	_ =	shalt  }
0x82: {  	_ =	shalt  }
0x83: {  	_ =	shalt  }
0x84: {  	_ =	shalt  }
0x85: {  	_ =	shalt  }
0x86: {  	_ =	shalt  }
0x87: {  	_ =	shalt  }
.Lfunc_end0:
.L_simem_size_0:
called_computation_lowered:
.L_overlay_start_0:
0x88: {  	s2 =	sld [smem:$0x3FD9]  }
0x89: {  	s3 =	sld [smem:$0x3FFE];
	_ =	sdelay $0x1  }
0x8a: {  	s1 =	srdreg.scid  }
0x8b: {  	s0 =	sand.u32 $0x1, s1  }
0x8c: {  	s18 =	sshll.u32 s0, $0xA;
	s2 =	sadd.s32 s3, s2  }
0x8d: {  	s2 =	sadd.s32 s2, s18  }
0x8e: {  	[smem:$0x3FC6] =	sst s2  }
0x8f: {  	_ = 	snop  }
0x90: {  	s2 =	sld [smem:$0x3FC9]  }
0x91: {  	s19 =	sld [smem:$0x3FC8]  }
0x92: {  	s4 =	sld [smem:$0x3FD0];
	(tm) =	ssettm $0x1  }
0x93: {  	s5 =	sld [smem:$0x3FFB];
	_ =	sdelay $0x3  }
0x94: {  	_ =	strace s5  }
0x95: {  	s5 =	sld [smem:$0x3FFC];
	_ =	sdelay $0x3  }
0x96: {  	_ =	strace s5  }
0x97: {  	s5 =	sld [smem:$0x3FFD];
	_ =	sdelay $0x3  }
0x98: {  	_ =	strace s5  }
0x99: {  	_ =	strace $0x8FFFFFFF  }
0x9a: {  	s20 =	sld [smem:$0x3FDB];
	_ =	sdelay $0x1  }
0x9b: {  	s6 =	simm.s32 $_scs_section_size  }
0x9c: {  	s7 =	simm.s32 $_size__tile_overlayer_lowered;
	s8 =	simm.s32 $_tile_overlayer_lowered  }
0x9d: {  	s23 =	simm.s32 $0x1BFF;
	s22 =	sshll.u32 s8, $0x1;
	s5 =	sadd.s32 s6, s20  }
0x9e: {  	s9 =	simm.s32 $0x0;
	s21 =	sshll.u32 s7, $0x1;
	s7 =	sadd.s32 s22, s5  }
0x9f: {  	[timem:s9], [sflag:s23] =	dma.local [hbm:s7], s21  }
0xa0: {  	_ =	swait.ge [sflag:s23], s21  }
0xa1: {  	s6 =	ssub.s32 $0x0, s21;
	[sflag:s23] =	ssyncset.done $0x0  }
0xa2: {  	[sflag:s23] =	ssyncadd.s32 s6;
	_ =	sdelay $0x1  }
0xa3: {  	s24 =	simm.s32 $0x1B8B  }
0xa4: {  	_ =	swait.ge [sflag:s24], $0x1  }
0xa5: {  	[sflag:s24] =	ssyncset.done $0x0  }
0xa6: {  	s25 =	simm.s32 $0x1B8E;
	[sflag:s24] =	ssyncadd.s32 $0xFFFFFFFF  }
0xa7: {  	s26 =	simm.s32 $execute0_lowered;
	[smem:$0x3FD2] =	sst s25  }
0xa8: {  	s6 =	sshll.u32 s26, $0x1;
	_ =	strace $0x80000046;
	[dreg:$0x1] =	wrdreg $0xFFFFFFFF  }
0xa9: {  	s28 =	simm.s32 $_size_execute0_lowered;
	s5 =	sadd.s32 s5, s6;
	[dreg:$0x0] =	wrdreg $0x0  }
0xaa: {  	s6 =	sshll.u32 s28, $0x1;
	[dreg:$0x2] =	wrdreg s5  }
0xab: {  	[dreg:$0x3] =	wrdreg s6  }
0xac: {  	[dreg:$0x4] =	wrdreg $0xC0  }
0xad: {  	_ =	task [dreg:s9], $0x5FFFF  }
0xae: {  	[dreg:$0x1] =	wrdreg $0xFFFFFFFF  }
0xaf: {  	[dreg:$0x0] =	wrdreg $0x60  }
0xb0: {  	[dreg:$0x2] =	wrdreg s2  }
0xb1: {  	[dreg:$0x3] =	wrdreg s19  }
0xb2: {  	[dreg:$0x4] =	wrdreg s4  }
0xb3: {  	[dreg:$0x5] =	wrdreg $0x6000  }
0xb4: {  	[dreg:$0x6] =	wrdreg $0x9  }
0xb5: {  	_ =	task.clear_ibuf [dreg:s9], $0x7FFFF;
	_ =	strace $0x90000046  }
0xb6: {  	s29 =	simm.s32 $0x9;
	_ =	strace $0x80000048  }
0xb7: {  	_ =	swait.ge [sflag:s29], $0x1  }
0xb8: {  	[sflag:s29] =	ssyncadd.s32 $0xFFFFFFFF  }
0xb9: {  	_ =	strace $0x90000048  }
0xba: {  	_ =	sfence  }
0xbb: {  	s30 =	sld [smem:$0x0];
	_ =	sdelay $0x2  }
0xbc: {  	s31 =	sshll.u32 s1, $0xD;
	s1 =	sshrl.u32 s1, $0x2  }
0xbd: {  	s3 =	sand.u32 $0x4000, s31;
	s1 =	sadd.s32 s1, s30  }
0xbe: {  	s0 =	sor.u32 s3, s0;
	s1 =	sshll.u32 s1, $0x11  }
0xbf: {  	s0 =	sor.u32 s1, s0  }
0xc0: {  	s0 =	sadd.s32 $0x8F2B, s0  }
0xc1: {  	[sflag:s0] =	ssyncadd.remote.s32 $0x1  }
0xc2: {  	_ =	sfence.sel $0xFFFF  }
0xc3: {  	[dreg:$0x0] =	wrdreg $0xFFFFFFFF;
	(pc) =	sbr.abs _section_cstart, $3  }
0xc4: {  	[dreg:$0x1] =	wrdreg $0xFFFFFFFF  }
0xc5: {  	_ =	task.clear_ibuf [dreg:s9], $0x2FFFF;
	_ =	strace $0x9FFFFFFF  }
0xc6: {  	(tm) =	ssettm $0x7FFFFFFF  }
0xc7: {  	_ =	shalt  }
tec
execute0_lowered:
.L_overlay_start_1:
0x0: {  	(tag) =	ssettag $0x1  }
0x1: {  	s1 =	rddreg [dreg:$0x0]  }
0x2: {  	s13 =	rddreg [dreg:$0x1]  }
0x3: {  	s5 =	rddreg [dreg:$0x2]  }
0x4: {  	s4 =	rddreg [dreg:$0x3];
	s2 =	simm.s32 $0x0  }
0x5: {  	s0 =	srdreg.scid;
	[smem:$0x7FF] =	sst s2;
	s24 =	sadd.s32 $0x100, s13  }
0x6: {  	s25 =	sadd.s32 $0x80, s13;
	_ =	strace $0x80000047;
	[dreg:$0x6] =	wrdreg s24  }
0x7: {  	s3 =	stileid.u32;
	s12 =	simm.s32 $0x200;
	[dreg:$0x7] =	wrdreg s25  }
0x8: {  	s14 =	simm.s32 $0x280;
	s15 =	simm.s32 $0x300;
	[dreg:$0x12] =	wrdreg s12  }
0x9: {  	s16 =	simm.s32 $0x380;
	s17 =	simm.s32 $0x400;
	[dreg:$0x13] =	wrdreg s14  }
0xa: {  	s18 =	simm.s32 $0x480;
	s0 =	sand.u32 $0x1, s0;
	[dreg:$0x14] =	wrdreg s15  }
0xb: {  	s6 =	sshll.u32 s3, $0xA;
	s7 =	sshll.u32 s0, $0x9;
	[dreg:$0x15] =	wrdreg s16  }
0xc: {  	s20 =	simm.s32 $0x500;
	[dreg:$0x16] =	wrdreg s17;
	s6 =	sor.u32 s7, s6  }
0xd: {  	[dreg:$0x17] =	wrdreg s18;
	s7 =	sshrl.u32 s6, $0x3;
	s6 =	sshll.u32 s6, $0x4  }
0xe: {  	[dreg:$0x18] =	wrdreg s20;
	s1 =	sadd.s32 s1, s7;
	s5 =	sadd.s32 s5, s6  }
0xf: {  	[dreg:$0x5] =	wrdreg s1;
	s26 =	sadd.s32 $0x400, s5  }
0x10: {  	s6 =	sadd.s32 $0x800, s5;
	[dreg:$0x8] =	wrdreg s26  }
0x11: {  	p0 =	seq.s32 s3, $0x2;
	s7 =	sadd.s32 $0xC00, s5;
	[dreg:$0x9] =	wrdreg s6  }
0x12: {  	p2 =	seq.s32 @!p0 s3, $0x1;
	s8 =	sadd.s32 $0x1000, s5;
	[dreg:$0xa] =	wrdreg s7  }
0x13: {  	p1 =	por p2, p0;
	s9 =	sadd.s32 $0x1400, s5;
	[dreg:$0xb] =	wrdreg s8  }
0x14: {  	p3 =	sne.s32 @!p1 s3, $0x0;
	s10 =	sadd.s32 $0x1800, s5;
	[dreg:$0xc] =	wrdreg s9  }
0x15: {  	p1 =	por !p2, p0;
	s11 =	sadd.s32 $0x1C00, s5;
	[dreg:$0xd] =	wrdreg s10  }
0x16: {  	p2 =	por @!p0 p3, p2;
	s6 =	sadd.s32 $0x800, s4;
	[dreg:$0xe] =	wrdreg s11  }
0x17: {  	s7 =	sadd.s32 $0x400, s4;
	s19 =	rddreg [dreg:$0x5];
	s1 =	sshrl.u32 @p0 s6, $0x3  }
0x18: {  	[tilespmem:s2], [sflag:$0xA] =	stream.linear.gather [hbm4b:s19+s2], $0x200, $0x38;
	[tilespmem:$0x106A8] =	vst v63  }
0x19: {  	p2 =	por p2, p0;
	[dreg:$0xf] =	wrdreg s1;
	s1 =	sshrl.u32 @!p1 s7, $0x3  }
0x1a: {  	[dreg:$0x10] =	wrdreg s1;
	s1 =	sshrl.u32 @!p2 s4, $0x3  }
0x1b: {  	s6 =	simm.s32 $0xA;
	[dreg:$0x11] =	wrdreg s1  }
0x1c: {  	_ =	swait.ge [sflag:s6], $0x200  }
0x1d: {  	s3 =	simm.s32 @p0 $0x1C8A;
	s1 =	rddreg [dreg:$0x6];
	[sflag:s6] =	ssyncset.done $0x0  }
0x1e: {  	s8 =	simm.s32 @p0 $0xA;
	s9 =	rddreg [dreg:$0xf];
	[sflag:s6] =	ssyncadd.s32 $0xFFFFFE00  }
0x1f: {  	[spmem:s9], [sflag:s3] =	dma.local @p0 [hbm:s1], $0x50  }
0x20: {  	_ =	swait.ge @p0 [sflag:s8], $0x50  }
0x21: {  	s10 =	simm.s32 @!p1 $0xA;
	s1 =	rddreg [dreg:$0x7];
	[sflag:s8] =	ssyncset.done @p0 $0x0  }
0x22: {  	s3 =	simm.s32 @!p1 $0x1C4A;
	s11 =	rddreg [dreg:$0x10];
	[sflag:s8] =	ssyncadd.s32 @p0 $0xFFFFFFB0  }
0x23: {  	[spmem:s11], [sflag:s3] =	dma.local @!p1 [hbm:s1], $0x80  }
0x24: {  	_ =	swait.ge @!p1 [sflag:s10], $0x80  }
0x25: {  	s12 =	simm.s32 @!p2 $0xA;
	[sflag:s10] =	ssyncset.done @!p1 $0x0  }
0x26: {  	s3 =	simm.s32 @!p2 $0x1C0A;
	s1 =	rddreg [dreg:$0x11];
	[sflag:s10] =	ssyncadd.s32 @!p1 $0xFFFFFF80  }
0x27: {  	[spmem:s1], [sflag:s3] =	dma.local @!p2 [hbm:s13], $0x80  }
0x28: {  	_ =	swait.ge @!p2 [sflag:s12], $0x80  }
0x29: {  	[sflag:s12] =	ssyncset.done @!p2 $0x0  }
0x2a: {  	[sflag:s12] =	ssyncadd.s32 @!p2 $0xFFFFFF80  }
0x2b: {  	v0 =	vld [tilespmem:$0x160]  }
0x2c: {  	v1 =	vld [tilespmem:$0x1D0]  }
0x2d: {  	v2 =	vld [tilespmem:$0xC0]  }
0x2e: {  	v3 =	vld [tilespmem:$0xE0]  }
0x2f: {  	v4 =	vld [tilespmem:$0x110]  }
0x30: {  	v5 =	vld [tilespmem:$0x60];
	v0 =	vadd.s32 $0xA, v0  }
0x31: {  	v6 =	vld [tilespmem:$0x30];
	v1 =	vadd.s32 $0xA, v1;
	[tilespmem:$0x4A0] =	vst v0  }
0x32: {  	v22 =	vld [tilespmem:$0x1E0];
	v2 =	vadd.s32 $0xA, v2;
	[tilespmem:$0x590] =	vst v1  }
0x33: {  	v23 =	vld [tilespmem:$0x10];
	v19 =	vadd.s32 $0xA, v3;
	[tilespmem:$0x380] =	vst v2  }
0x34: {  	v25 =	vld [tilespmem:$0x0];
	v21 =	vadd.s32 $0xA, v4;
	[tilespmem:$0x3A0] =	vst v19  }
0x35: {  	v27 =	vld [tilespmem:$0x40];
	v5 =	vadd.s32 $0xA, v5;
	[tilespmem:$0x410] =	vst v21  }
0x36: {  	v30 =	vld [tilespmem:$0x50];
	v6 =	vadd.s32 $0xA, v6;
	[tilespmem:$0x2A0] =	vst v5  }
0x37: {  	v31 =	vld [tilespmem:$0x80];
	v28 =	vadd.s32 $0xA, v22;
	[tilespmem:$0x230] =	vst v6  }
0x38: {  	v33 =	vld [tilespmem:$0x90];
	v29 =	vadd.s32 $0xA, v23;
	[tilespmem:$0x5A0] =	vst v28  }
0x39: {  	v34 =	vld [tilespmem:$0xA0];
	v32 =	vadd.s32 $0xA, v25;
	[tilespmem:$0x210] =	vst v29  }
0x3a: {  	v35 =	vld [tilespmem:$0xF0];
	v36 =	vadd.s32 $0xA, v27;
	[tilespmem:$0x200] =	vst v32  }
0x3b: {  	v38 =	vld [tilespmem:$0xD0];
	v37 =	vadd.s32 $0xA, v30;
	[tilespmem:$0x280] =	vst v36  }
0x3c: {  	v42 =	vld [tilespmem:$0x140];
	v39 =	vadd.s32 $0xA, v31;
	[tilespmem:$0x290] =	vst v37  }
0x3d: {  	v43 =	vld [tilespmem:$0xB0];
	v41 =	vadd.s32 $0xA, v33;
	[tilespmem:$0x300] =	vst v39  }
0x3e: {  	v48 =	vld [tilespmem:$0x180];
	v44 =	vadd.s32 $0xA, v34;
	[tilespmem:$0x310] =	vst v41  }
0x3f: {  	v49 =	vld [tilespmem:$0x190];
	v45 =	vadd.s32 $0xA, v35;
	[tilespmem:$0x320] =	vst v44  }
0x40: {  	v51 =	vld [tilespmem:$0x1A0];
	v47 =	vadd.s32 $0xA, v38;
	[tilespmem:$0x3B0] =	vst v45  }
0x41: {  	v53 =	vld [tilespmem:$0x1B0];
	v50 =	vadd.s32 $0xA, v42;
	[tilespmem:$0x390] =	vst v47  }
0x42: {  	v54 =	vld [tilespmem:$0x1C0];
	v52 =	vadd.s32 $0xA, v43;
	[tilespmem:$0x480] =	vst v50  }
0x43: {  	v56 =	vld [tilespmem:$0x1F0];
	v55 =	vadd.s32 $0xA, v48;
	[tilespmem:$0x330] =	vst v52  }
0x44: {  	v57 =	vld [tilespmem:$0x150];
	v58 =	vadd.s32 $0xA, v49;
	[tilespmem:$0x500] =	vst v55  }
0x45: {  	v18 =	vld [tilespmem:$0x70];
	v59 =	vadd.s32 $0xA, v51;
	[tilespmem:$0x510] =	vst v58  }
0x46: {  	v20 =	vld [tilespmem:$0x120];
	v60 =	vadd.s32 $0xA, v53;
	[tilespmem:$0x520] =	vst v59  }
0x47: {  	v24 =	vld [tilespmem:$0x100];
	v61 =	vadd.s32 $0xA, v54;
	[tilespmem:$0x530] =	vst v60  }
0x48: {  	v26 =	vld [tilespmem:$0x20];
	v62 =	vadd.s32 $0xA, v56;
	[tilespmem:$0x580] =	vst v61  }
0x49: {  	v40 =	vld [tilespmem:$0x130];
	v63 =	vadd.s32 $0xA, v57;
	[tilespmem:$0x5B0] =	vst v62  }
0x4a: {  	v46 =	vld [tilespmem:$0x170];
	v0 =	vadd.s32 $0xA, v18;
	[tilespmem:$0x490] =	vst v63  }
0x4b: {  	v2 =	vadd.s32 $0xA, v20;
	[tilespmem:$0x2B0] =	vst v0  }
0x4c: {  	v1 =	vadd.s32 $0xA, v24;
	[tilespmem:$0x420] =	vst v2  }
0x4d: {  	[tilespmem:$0x400] =	vst v1;
	v0 =	vadd.s32 $0xA, v26  }
0x4e: {  	v2 =	vadd.s32 $0xA, v40;
	[tilespmem:$0x220] =	vst v0  }
0x4f: {  	[tilespmem:$0x430] =	vst v2;
	v0 =	vadd.s32 $0xA, v46  }
0x50: {  	[tilespmem:$0x4B0] =	vst v0  }
0x51: {  	s14 =	simm.s32 $0x6A8;
	[bflag:$0x0] =	sbarrier.arrive $0xFFFF  }
0x52: {  	s9 =	smov.u32 s13;
	s13 =	simm.s32 $0x40;
	s21 =	rddreg [dreg:$0x12]  }
0x53: {  	[tilespmem:s14], [sflag:$0x1] =	stream.indirect.gather [spmem:s4], $0x80, s21, s13, $0xb8;
	[tilespmem:$0x106A8] =	vst v63  }
0x54: {  	s15 =	simm.s32 $0x26A8;
	s16 =	rddreg [dreg:$0x13]  }
0x55: {  	[tilespmem:s15], [sflag:$0x2] =	stream.indirect.gather [spmem:s4], $0x80, s16, s13, $0xb8;
	[tilespmem:$0x106A8] =	vst v63  }
0x56: {  	s22 =	rddreg [dreg:$0x14];
	s16 =	simm.s32 $0x46A8  }
0x57: {  	[tilespmem:s16], [sflag:$0x3] =	stream.indirect.gather [spmem:s4], $0x80, s22, s13, $0xb8;
	[tilespmem:$0x106A8] =	vst v63  }
0x58: {  	s19 =	simm.s32 $0x66A8;
	s17 =	rddreg [dreg:$0x15]  }
0x59: {  	[tilespmem:s19], [sflag:$0x4] =	stream.indirect.gather [spmem:s4], $0x80, s17, s13, $0xb8;
	[tilespmem:$0x106A8] =	vst v63  }
0x5a: {  	s23 =	rddreg [dreg:$0x16];
	s21 =	simm.s32 $0x86A8  }
0x5b: {  	[tilespmem:s21], [sflag:$0x5] =	stream.indirect.gather [spmem:s4], $0x80, s23, s13, $0xb8;
	[tilespmem:$0x106A8] =	vst v63  }
0x5c: {  	s20 =	simm.s32 $0xA6A8;
	s24 =	rddreg [dreg:$0x17]  }
0x5d: {  	[tilespmem:s20], [sflag:$0x6] =	stream.indirect.gather [spmem:s4], $0x80, s24, s13, $0xb8;
	[tilespmem:$0x106A8] =	vst v63  }
0x5e: {  	s18 =	simm.s32 $0xC6A8;
	s25 =	rddreg [dreg:$0x18]  }
0x5f: {  	[tilespmem:s18], [sflag:$0x7] =	stream.indirect.gather [spmem:s4], $0x80, s25, s13, $0xb8;
	[tilespmem:$0x106A8] =	vst v63  }
0x60: {  	s22 =	simm.s32 $0x580;
	s17 =	simm.s32 $0xE6A8;
	s23 =	simm.s32 $0x1  }
0x61: {  	[tilespmem:s17], [sflag:$0x8] =	stream.indirect.gather [spmem:s4], $0x80, s22, s13, $0xb8;
	[tilespmem:$0x106A8] =	vst v63  }
0x62: {  	_ =	swait.ge [sflag:s23], $0x2000  }
0x63: {  	[sflag:s23] =	ssyncset.done $0x0  }
0x64: {  	s25 =	simm.s32 $0x2;
	[sflag:s23] =	ssyncadd.s32 $0xFFFFE000  }
0x65: {  	[hbm4b:s5+s2] =	stream.linear.scatter [tilespmem:s14], [sflag:$0x9], $0x2000, $0x38;
	[tilespmem:$0x106A8] =	vst v63  }
0x66: {  	_ =	swait.ge [sflag:s25], $0x2000  }
0x67: {  	[sflag:s25] =	ssyncset.done $0x0  }
0x68: {  	s26 =	rddreg [dreg:$0x8];
	[sflag:s25] =	ssyncadd.s32 $0xFFFFE000  }
0x69: {  	[hbm4b:s26+s2] =	stream.linear.scatter [tilespmem:s15], [sflag:$0x9], $0x2000, $0x38;
	[tilespmem:$0x106A8] =	vst v63  }
0x6a: {  	s26 =	simm.s32 $0x3  }
0x6b: {  	s0 =	ssub.s32 $0x2, s0;
	_ =	swait.ge [sflag:s26], $0x2000  }
0x6c: {  	s28 =	simm.s32 $0x4;
	s24 =	sshrl.u32 s0, $0x1;
	[sflag:s26] =	ssyncset.done $0x0  }
0x6d: {  	s0 =	ssub.s32 s0, s24;
	s3 =	rddreg [dreg:$0x9];
	[sflag:s26] =	ssyncadd.s32 $0xFFFFE000  }
0x6e: {  	[hbm4b:s3+s2] =	stream.linear.scatter [tilespmem:s16], [sflag:$0x9], $0x2000, $0x38;
	[tilespmem:$0x106A8] =	vst v63  }
0x6f: {  	s0 =	smax.u32 s0, $0x1;
	_ =	swait.ge [sflag:s28], $0x2000  }
0x70: {  	s29 =	simm.s32 $0x5;
	s0 =	sadd.s32 $0xFFFFFFFF, s0;
	[sflag:s28] =	ssyncset.done $0x0  }
0x71: {  	p3 =	sne.s32 s0, $0x0;
	s7 =	rddreg [dreg:$0xa];
	[sflag:s28] =	ssyncadd.s32 $0xFFFFE000  }
0x72: {  	[hbm4b:s7+s2] =	stream.linear.scatter [tilespmem:s19], [sflag:$0x9], $0x2000, $0x38;
	[tilespmem:$0x106A8] =	vst v63  }
.Ltmp0:
0x73: {  	_ =	swait.ge [sflag:s29], $0x2000;
	(pc) =	sbr.rel @!p3 .LBB2_2-.Ltmp0, $4  }
0x74: {  	s31 =	simm.s32 $0x7;
	[sflag:s29] =	ssyncset.done $0x0  }
0x75: {  	s1 =	simm.s32 $0x6;
	s11 =	rddreg [dreg:$0xb];
	[sflag:s29] =	ssyncadd.s32 $0xFFFFE000  }
0x76: {  	[hbm4b:s11+s2] =	stream.linear.scatter [tilespmem:s21], [sflag:$0x9], $0x2000, $0x38;
	[tilespmem:$0x106A8] =	vst v63  }
0x77: {  	s30 =	simm.s32 $0x8;
	s24 =	simm.s32 $0x9;
	_ =	swait.ge [sflag:s1], $0x2000  }
.LBB2_1:
0x78: {  	[sflag:s1] =	ssyncset.done $0x0  }
0x79: {  	s3 =	rddreg [dreg:$0xc];
	[sflag:s1] =	ssyncadd.s32 $0xFFFFE000  }
0x7a: {  	[hbm4b:s3+s2] =	stream.linear.scatter [tilespmem:s20], [sflag:$0x9], $0x2000, $0x38;
	[tilespmem:$0x106A8] =	vst v63  }
0x7b: {  	_ =	swait.ge [sflag:s31], $0x2000  }
0x7c: {  	[sflag:s31] =	ssyncset.done $0x0  }
0x7d: {  	s7 =	rddreg [dreg:$0xd];
	[sflag:s31] =	ssyncadd.s32 $0xFFFFE000  }
0x7e: {  	[hbm4b:s7+s2] =	stream.linear.scatter [tilespmem:s18], [sflag:$0x9], $0x2000, $0x38;
	[tilespmem:$0x106A8] =	vst v63  }
0x7f: {  	_ =	swait.ge [sflag:s30], $0x2000  }
0x80: {  	[sflag:s30] =	ssyncset.done $0x0  }
0x81: {  	s11 =	rddreg [dreg:$0xe];
	[sflag:s30] =	ssyncadd.s32 $0xFFFFE000  }
0x82: {  	[hbm4b:s11+s2] =	stream.linear.scatter [tilespmem:s17], [sflag:$0x9], $0x2000, $0x38;
	[tilespmem:$0x106A8] =	vst v63  }
0x83: {  	_ =	swait.ge [sflag:s24], $0x2000  }
0x84: {  	[sflag:s24] =	ssyncset.done $0x0  }
0x85: {  	[sflag:s24] =	ssyncadd.s32 $0xFFFFE000  }
0x86: {  	_ =	swait.ge [sflag:s24], $0x2000  }
0x87: {  	[sflag:s24] =	ssyncset.done $0x0  }
0x88: {  	[sflag:s24] =	ssyncadd.s32 $0xFFFFE000  }
0x89: {  	_ =	swait.ge [sflag:s24], $0x2000  }
0x8a: {  	[sflag:s24] =	ssyncset.done $0x0  }
0x8b: {  	[sflag:s24] =	ssyncadd.s32 $0xFFFFE000  }
0x8c: {  	_ =	swait.ge [sflag:s24], $0x2000  }
0x8d: {  	[sflag:s24] =	ssyncset.done $0x0  }
0x8e: {  	[sflag:s24] =	ssyncadd.s32 $0xFFFFE000  }
0x8f: {  	_ =	swait.ge [sflag:s24], $0x2000  }
0x90: {  	[sflag:s24] =	ssyncset.done $0x0  }
0x91: {  	[sflag:s24] =	ssyncadd.s32 $0xFFFFE000  }
0x92: {  	_ =	swait.ge [sflag:s24], $0x2000  }
0x93: {  	[sflag:s24] =	ssyncset.done $0x0  }
0x94: {  	[sflag:s24] =	ssyncadd.s32 $0xFFFFE000  }
0x95: {  	_ =	swait.ge [sflag:s24], $0x2000  }
0x96: {  	[sflag:s24] =	ssyncset.done $0x0  }
0x97: {  	[sflag:s24] =	ssyncadd.s32 $0xFFFFE000  }
0x98: {  	_ =	swait.ge [sflag:s24], $0x2000  }
0x99: {  	[sflag:s24] =	ssyncset.done $0x0  }
0x9a: {  	s7 =	rddreg [dreg:$0x5];
	[sflag:s24] =	ssyncadd.s32 $0xFFFFE000  }
0x9b: {  	[tilespmem:s2], [sflag:$0xA] =	stream.linear.gather [hbm4b:s7+s2], $0x200, $0x38;
	[tilespmem:$0x106A8] =	vst v63  }
0x9c: {  	_ =	swait.ge [sflag:s6], $0x200  }
0x9d: {  	[sflag:s6] =	ssyncset.done $0x0;
	s3 =	rddreg [dreg:$0x6]  }
0x9e: {  	s11 =	simm.s32 @p0 $0x1C8A;
	s7 =	rddreg [dreg:$0xf];
	[sflag:s6] =	ssyncadd.s32 $0xFFFFFE00  }
0x9f: {  	[spmem:s7], [sflag:s11] =	dma.local @p0 [hbm:s3], $0x50  }
0xa0: {  	_ =	swait.ge @p0 [sflag:s8], $0x50  }
0xa1: {  	[sflag:s8] =	ssyncset.done @p0 $0x0;
	s3 =	rddreg [dreg:$0x7]  }
0xa2: {  	s11 =	simm.s32 @!p1 $0x1C4A;
	s7 =	rddreg [dreg:$0x10];
	[sflag:s8] =	ssyncadd.s32 @p0 $0xFFFFFFB0  }
0xa3: {  	[spmem:s7], [sflag:s11] =	dma.local @!p1 [hbm:s3], $0x80  }
0xa4: {  	_ =	swait.ge @!p1 [sflag:s10], $0x80  }
0xa5: {  	[sflag:s10] =	ssyncset.done @!p1 $0x0  }
0xa6: {  	s7 =	simm.s32 @!p2 $0x1C0A;
	s3 =	rddreg [dreg:$0x11];
	[sflag:s10] =	ssyncadd.s32 @!p1 $0xFFFFFF80  }
0xa7: {  	[spmem:s3], [sflag:s7] =	dma.local @!p2 [hbm:s9], $0x80  }
0xa8: {  	_ =	swait.ge @!p2 [sflag:s12], $0x80  }
0xa9: {  	[sflag:s12] =	ssyncset.done @!p2 $0x0  }
0xaa: {  	[sflag:s12] =	ssyncadd.s32 @!p2 $0xFFFFFF80  }
0xab: {  	v0 =	vld [tilespmem:$0x160]  }
0xac: {  	v1 =	vld [tilespmem:$0x1D0]  }
0xad: {  	v3 =	vld [tilespmem:$0xC0]  }
0xae: {  	v4 =	vld [tilespmem:$0xE0]  }
0xaf: {  	v5 =	vld [tilespmem:$0x110]  }
0xb0: {  	v6 =	vld [tilespmem:$0x60];
	v0 =	vadd.s32 $0xA, v0  }
0xb1: {  	v7 =	vld [tilespmem:$0x30];
	v1 =	vadd.s32 $0xA, v1;
	[tilespmem:$0x4A0] =	vst v0  }
0xb2: {  	v25 =	vld [tilespmem:$0x1E0];
	v3 =	vadd.s32 $0xA, v3;
	[tilespmem:$0x590] =	vst v1  }
0xb3: {  	v26 =	vld [tilespmem:$0x10];
	v22 =	vadd.s32 $0xA, v4;
	[tilespmem:$0x380] =	vst v3  }
0xb4: {  	v2 =	vld [tilespmem:$0x100];
	v24 =	vadd.s32 $0xA, v5;
	[tilespmem:$0x3A0] =	vst v22  }
0xb5: {  	v28 =	vld [tilespmem:$0x0];
	v6 =	vadd.s32 $0xA, v6;
	[tilespmem:$0x410] =	vst v24  }
0xb6: {  	v30 =	vld [tilespmem:$0x40];
	v7 =	vadd.s32 $0xA, v7;
	[tilespmem:$0x2A0] =	vst v6  }
0xb7: {  	v33 =	vld [tilespmem:$0x50];
	v31 =	vadd.s32 $0xA, v25;
	[tilespmem:$0x230] =	vst v7  }
0xb8: {  	v34 =	vld [tilespmem:$0x80];
	v32 =	vadd.s32 $0xA, v26;
	[tilespmem:$0x5A0] =	vst v31  }
0xb9: {  	v36 =	vld [tilespmem:$0x90];
	v2 =	vadd.s32 $0xA, v2;
	[tilespmem:$0x210] =	vst v32  }
0xba: {  	v37 =	vld [tilespmem:$0xA0];
	v35 =	vadd.s32 $0xA, v28;
	[tilespmem:$0x400] =	vst v2  }
0xbb: {  	v41 =	vld [tilespmem:$0xD0];
	v38 =	vadd.s32 $0xA, v30;
	[tilespmem:$0x200] =	vst v35  }
0xbc: {  	v45 =	vld [tilespmem:$0x140];
	v40 =	vadd.s32 $0xA, v33;
	[tilespmem:$0x280] =	vst v38  }
0xbd: {  	v39 =	vld [tilespmem:$0xB0];
	v42 =	vadd.s32 $0xA, v34;
	[tilespmem:$0x290] =	vst v40  }
0xbe: {  	v49 =	vld [tilespmem:$0x170];
	v44 =	vadd.s32 $0xA, v36;
	[tilespmem:$0x300] =	vst v42  }
0xbf: {  	v50 =	vld [tilespmem:$0x180];
	v46 =	vadd.s32 $0xA, v37;
	[tilespmem:$0x310] =	vst v44  }
0xc0: {  	v51 =	vld [tilespmem:$0x190];
	v5 =	vadd.s32 $0xA, v41;
	[tilespmem:$0x320] =	vst v46  }
0xc1: {  	v53 =	vld [tilespmem:$0x1A0];
	v52 =	vadd.s32 $0xA, v45;
	[tilespmem:$0x390] =	vst v5  }
0xc2: {  	v54 =	vld [tilespmem:$0x1B0];
	v48 =	vadd.s32 $0xA, v39;
	[tilespmem:$0x480] =	vst v52  }
0xc3: {  	v56 =	vld [tilespmem:$0x1C0];
	v55 =	vadd.s32 $0xA, v49;
	[tilespmem:$0x330] =	vst v48  }
0xc4: {  	v58 =	vld [tilespmem:$0x1F0];
	v57 =	vadd.s32 $0xA, v50;
	[tilespmem:$0x4B0] =	vst v55  }
0xc5: {  	v21 =	vld [tilespmem:$0x70];
	v59 =	vadd.s32 $0xA, v51;
	[tilespmem:$0x500] =	vst v57  }
0xc6: {  	v23 =	vld [tilespmem:$0x120];
	v60 =	vadd.s32 $0xA, v53;
	[tilespmem:$0x510] =	vst v59  }
0xc7: {  	v27 =	vld [tilespmem:$0xF0];
	v61 =	vadd.s32 $0xA, v54;
	[tilespmem:$0x520] =	vst v60  }
0xc8: {  	v47 =	vld [tilespmem:$0x150];
	v62 =	vadd.s32 $0xA, v56;
	[tilespmem:$0x530] =	vst v61  }
0xc9: {  	v29 =	vld [tilespmem:$0x20];
	v63 =	vadd.s32 $0xA, v58;
	[tilespmem:$0x580] =	vst v62  }
0xca: {  	v43 =	vld [tilespmem:$0x130];
	v0 =	vadd.s32 $0xA, v21;
	[tilespmem:$0x5B0] =	vst v63  }
0xcb: {  	v3 =	vadd.s32 $0xA, v23;
	[tilespmem:$0x2B0] =	vst v0  }
0xcc: {  	v1 =	vadd.s32 $0xA, v27;
	[tilespmem:$0x420] =	vst v3  }
0xcd: {  	v2 =	vadd.s32 $0xA, v47;
	[tilespmem:$0x3B0] =	vst v1  }
0xce: {  	v0 =	vadd.s32 $0xA, v29;
	[tilespmem:$0x490] =	vst v2  }
0xcf: {  	v3 =	vadd.s32 $0xA, v43;
	[tilespmem:$0x220] =	vst v0  }
0xd0: {  	[tilespmem:$0x430] =	vst v3  }
0xd1: {  	[bflag:$0x0] =	sbarrier.arrive $0xFFFF  }
0xd2: {  	s11 =	rddreg [dreg:$0x12]  }
0xd3: {  	[tilespmem:s14], [sflag:$0x1] =	stream.indirect.gather [spmem:s4], $0x80, s11, s13, $0xb8;
	[tilespmem:$0x106A8] =	vst v63  }
0xd4: {  	s7 =	rddreg [dreg:$0x13]  }
0xd5: {  	[tilespmem:s15], [sflag:$0x2] =	stream.indirect.gather [spmem:s4], $0x80, s7, s13, $0xb8;
	[tilespmem:$0x106A8] =	vst v63  }
0xd6: {  	s11 =	rddreg [dreg:$0x14]  }
0xd7: {  	[tilespmem:s16], [sflag:$0x3] =	stream.indirect.gather [spmem:s4], $0x80, s11, s13, $0xb8;
	[tilespmem:$0x106A8] =	vst v63  }
0xd8: {  	s7 =	rddreg [dreg:$0x15]  }
0xd9: {  	[tilespmem:s19], [sflag:$0x4] =	stream.indirect.gather [spmem:s4], $0x80, s7, s13, $0xb8;
	[tilespmem:$0x106A8] =	vst v63  }
0xda: {  	s11 =	rddreg [dreg:$0x16]  }
0xdb: {  	[tilespmem:s21], [sflag:$0x5] =	stream.indirect.gather [spmem:s4], $0x80, s11, s13, $0xb8;
	[tilespmem:$0x106A8] =	vst v63  }
0xdc: {  	s7 =	rddreg [dreg:$0x17]  }
0xdd: {  	[tilespmem:s20], [sflag:$0x6] =	stream.indirect.gather [spmem:s4], $0x80, s7, s13, $0xb8;
	[tilespmem:$0x106A8] =	vst v63  }
0xde: {  	s11 =	rddreg [dreg:$0x18]  }
0xdf: {  	[tilespmem:s18], [sflag:$0x7] =	stream.indirect.gather [spmem:s4], $0x80, s11, s13, $0xb8;
	[tilespmem:$0x106A8] =	vst v63  }
0xe0: {  	_ = 	snop  }
0xe1: {  	[tilespmem:s17], [sflag:$0x8] =	stream.indirect.gather [spmem:s4], $0x80, s22, s13, $0xb8;
	[tilespmem:$0x106A8] =	vst v63  }
0xe2: {  	_ =	swait.ge [sflag:s23], $0x2000  }
0xe3: {  	[sflag:s23] =	ssyncset.done $0x0  }
0xe4: {  	[sflag:s23] =	ssyncadd.s32 $0xFFFFE000  }
0xe5: {  	[hbm4b:s5+s2] =	stream.linear.scatter [tilespmem:s14], [sflag:$0x9], $0x2000, $0x38;
	[tilespmem:$0x106A8] =	vst v63  }
0xe6: {  	_ =	swait.ge [sflag:s25], $0x2000  }
0xe7: {  	[sflag:s25] =	ssyncset.done $0x0  }
0xe8: {  	s7 =	rddreg [dreg:$0x8];
	[sflag:s25] =	ssyncadd.s32 $0xFFFFE000  }
0xe9: {  	[hbm4b:s7+s2] =	stream.linear.scatter [tilespmem:s15], [sflag:$0x9], $0x2000, $0x38;
	[tilespmem:$0x106A8] =	vst v63  }
0xea: {  	_ =	swait.ge [sflag:s26], $0x2000  }
0xeb: {  	[sflag:s26] =	ssyncset.done $0x0  }
0xec: {  	s11 =	rddreg [dreg:$0x9];
	[sflag:s26] =	ssyncadd.s32 $0xFFFFE000  }
0xed: {  	[hbm4b:s11+s2] =	stream.linear.scatter [tilespmem:s16], [sflag:$0x9], $0x2000, $0x38;
	[tilespmem:$0x106A8] =	vst v63  }
0xee: {  	_ =	swait.ge [sflag:s28], $0x2000  }
0xef: {  	s0 =	sadd.s32 $0xFFFFFFFF, s0;
	[sflag:s28] =	ssyncset.done $0x0  }
0xf0: {  	p3 =	sne.s32 s0, $0x0;
	s7 =	rddreg [dreg:$0xa];
	[sflag:s28] =	ssyncadd.s32 $0xFFFFE000  }
0xf1: {  	[hbm4b:s7+s2] =	stream.linear.scatter [tilespmem:s19], [sflag:$0x9], $0x2000, $0x38;
	[tilespmem:$0x106A8] =	vst v63  }
.Ltmp1:
0xf2: {  	_ =	swait.ge [sflag:s29], $0x2000;
	(pc) =	sbr.rel @p3 .LBB2_1-.Ltmp1, $4  }
0xf3: {  	[sflag:s29] =	ssyncset.done $0x0  }
0xf4: {  	s11 =	rddreg [dreg:$0xb];
	[sflag:s29] =	ssyncadd.s32 $0xFFFFE000  }
0xf5: {  	[hbm4b:s11+s2] =	stream.linear.scatter [tilespmem:s21], [sflag:$0x9], $0x2000, $0x38;
	[tilespmem:$0x106A8] =	vst v63  }
0xf6: {  	_ =	swait.ge [sflag:s1], $0x2000  }
.LBB2_2:
0xf7: {  	[sflag:s1] =	ssyncset.done $0x0  }
0xf8: {  	s0 =	rddreg [dreg:$0xc];
	[sflag:s1] =	ssyncadd.s32 $0xFFFFE000  }
0xf9: {  	[hbm4b:s0+s2] =	stream.linear.scatter [tilespmem:s20], [sflag:$0x9], $0x2000, $0x38;
	[tilespmem:$0x106A8] =	vst v63  }
0xfa: {  	_ =	swait.ge [sflag:s31], $0x2000  }
0xfb: {  	[sflag:s31] =	ssyncset.done $0x0  }
0xfc: {  	s28 =	rddreg [dreg:$0xd];
	[sflag:s31] =	ssyncadd.s32 $0xFFFFE000  }
0xfd: {  	[hbm4b:s28+s2] =	stream.linear.scatter [tilespmem:s18], [sflag:$0x9], $0x2000, $0x38;
	[tilespmem:$0x106A8] =	vst v63  }
0xfe: {  	_ =	swait.ge [sflag:s30], $0x2000  }
0xff: {  	[sflag:s30] =	ssyncset.done $0x0  }
0x100: {  	s29 =	rddreg [dreg:$0xe];
	[sflag:s30] =	ssyncadd.s32 $0xFFFFE000  }
0x101: {  	[hbm4b:s29+s2] =	stream.linear.scatter [tilespmem:s17], [sflag:$0x9], $0x2000, $0x38;
	[tilespmem:$0x106A8] =	vst v63  }
0x102: {  	_ =	swait.ge [sflag:s24], $0x2000  }
0x103: {  	[sflag:s24] =	ssyncset.done $0x0  }
0x104: {  	[sflag:s24] =	ssyncadd.s32 $0xFFFFE000  }
0x105: {  	_ =	swait.ge [sflag:s24], $0x2000  }
0x106: {  	[sflag:s24] =	ssyncset.done $0x0  }
0x107: {  	[sflag:s24] =	ssyncadd.s32 $0xFFFFE000  }
0x108: {  	_ =	swait.ge [sflag:s24], $0x2000  }
0x109: {  	[sflag:s24] =	ssyncset.done $0x0  }
0x10a: {  	[sflag:s24] =	ssyncadd.s32 $0xFFFFE000  }
0x10b: {  	_ =	swait.ge [sflag:s24], $0x2000  }
0x10c: {  	[sflag:s24] =	ssyncset.done $0x0  }
0x10d: {  	[sflag:s24] =	ssyncadd.s32 $0xFFFFE000  }
0x10e: {  	_ =	swait.ge [sflag:s24], $0x2000  }
0x10f: {  	[sflag:s24] =	ssyncset.done $0x0  }
0x110: {  	[sflag:s24] =	ssyncadd.s32 $0xFFFFE000  }
0x111: {  	_ =	swait.ge [sflag:s24], $0x2000  }
0x112: {  	[sflag:s24] =	ssyncset.done $0x0  }
0x113: {  	[sflag:s24] =	ssyncadd.s32 $0xFFFFE000  }
0x114: {  	_ =	swait.ge [sflag:s24], $0x2000  }
0x115: {  	[sflag:s24] =	ssyncset.done $0x0  }
0x116: {  	[sflag:s24] =	ssyncadd.s32 $0xFFFFE000  }
0x117: {  	_ =	swait.ge [sflag:s24], $0x2000  }
0x118: {  	[sflag:s24] =	ssyncset.done $0x0  }
0x119: {  	[sflag:s24] =	ssyncadd.s32 $0xFFFFE000  }
0x11a: {  	_ =	sfence.sel $0x180000  }
0x11b: {  	[bflag:$0x0] =	sbarrier.arrive $0xFFFF  }
0x11c: {  	_ =	strace $0x90000047  }
0x11d: {  	s31 =	stileid.u32;
	[bflag:$0x2] =	sbarrier.arrive $0xFFFF  }
0x11e: {  	p0 =	sne.s32 s31, $0x0;
	s0 =	rddreg [dreg:$0x4]  }
0x11f: {  	s0 =	sadd.s32 @!p0 $0x100000, s0  }
0x120: {  	[sflag:s0] =	ssyncadd.tile.s32 @!p0 $0x1;
	_ =	shalt  }
.Lfunc_end2:
_tile_overlayer_lowered:
.L_overlay_start_2:
0x121: {  	(tag) =	ssettag $0x2  }
0x122: {  	s0 =	rddreg [dreg:$0x0];
	s2 =	stileid.u32  }
0x123: {  	s1 =	rddreg [dreg:$0x1];
	p0 =	sne.s32 s2, $0x0  }
0x124: {  	s3 =	rddreg [dreg:$0x2];
	[bflag:$0x3] =	sbarrier.arrive $0xFFFF;
	s2 =	simm.s32 @!p0 $0x1C0A  }
0x125: {  	[timem:s3], [sflag:s2] =	dma.local @!p0 [hbm:s0], s1  }
0x126: {  	s0 =	simm.s32 @!p0 $0xA  }
0x127: {  	_ =	swait.ge @!p0 [sflag:s0], s1  }
0x128: {  	s1 =	ssub.s32 @!p0 $0x0, s1;
	[sflag:s0] =	ssyncset.done @!p0 $0x0  }
0x129: {  	[sflag:s0] =	ssyncadd.s32 @!p0 s1  }
0x12a: {  	[bflag:$0x3] =	sbarrier.arrive $0xFFFF  }
0x12b: {  	_ =	shalt  }

</sc_bundles>
